<compile_context>
chip_gen: v7x
topology: tpu7x:2x2x1
jax: 0.10.2.dev20260603
libtpu: 0.0.44.dev20260713+nightly
codegen_flags: <defaults>
</compile_context>

<pallas_src>
import functools

import jax
import jax.numpy as jnp
from jax import lax
from jax.experimental import pallas as pl
from jax.experimental.pallas import tpu as pltpu
from jax.experimental.pallas import tpu_sc as plsc

BATCH = 4096
HIST = 200
EMBED_DIM = 64
B_TOTAL = BATCH * HIST

_info = plsc.get_sparse_core_info()
NUM_CORES = _info.num_cores
NUM_SUBCORES = _info.num_subcores
NW = NUM_CORES * NUM_SUBCORES
B_PER_W = B_TOTAL // NW

K = 4
CHUNK = 400
NCHUNK = B_PER_W // CHUNK
NGROUP = NCHUNK // K


def _gather_body(table_hbm, idx_hbm, out_hbm, idx_v, rows, gsem, wsem):
    c = lax.axis_index("c")
    s = lax.axis_index("s")
    wid = s * NUM_CORES + c
    base = wid * B_PER_W
    pltpu.sync_copy(idx_hbm.at[pl.ds(base, B_PER_W)], idx_v)

    def gather(g, i):
        off = pl.multiple_of(g * CHUNK, CHUNK)
        pltpu.make_async_copy(
            table_hbm.at[idx_v.at[pl.ds(off, CHUNK)]], rows[i], gsem.at[i]
        ).start()

    def write(g, i):
        off = pl.multiple_of(g * CHUNK, CHUNK)
        pltpu.make_async_copy(
            rows[i], out_hbm.at[pl.ds(base + off, CHUNK)], wsem.at[i]
        ).start()

    def gather_wait(i):
        pltpu.make_async_copy(
            table_hbm.at[idx_v.at[pl.ds(0, CHUNK)]], rows[i], gsem.at[i]
        ).wait()

    def write_wait(i):
        pltpu.make_async_copy(
            rows[i], out_hbm.at[pl.ds(base, CHUNK)], wsem.at[i]
        ).wait()

    for i in range(K):
        gather(i, i)

    def body(o, carry):
        g0 = o * K
        for i in range(K):
            gather_wait(i)
            write(g0 + i, i)
        for i in range(K):
            write_wait(i)
            gather(g0 + K + i, i)
        return carry

    lax.fori_loop(0, NGROUP - 1, body, 0)

    g0 = (NGROUP - 1) * K
    for i in range(K):
        gather_wait(i)
        write(g0 + i, i)
    for i in range(K):
        write_wait(i)


@jax.jit
def _embedding_lookup(idx_flat, weight):
    mesh = plsc.VectorSubcoreMesh(core_axis_name="c", subcore_axis_name="s")
    fn = pl.kernel(
        _gather_body,
        out_type=jax.ShapeDtypeStruct((B_TOTAL, EMBED_DIM), jnp.float32),
        mesh=mesh,
        scratch_types=[
            pltpu.VMEM((B_PER_W,), jnp.int32),
            [pltpu.VMEM((CHUNK, EMBED_DIM), jnp.float32) for _ in range(K)],
            pltpu.SemaphoreType.DMA((K,)),
            pltpu.SemaphoreType.DMA((K,)),
        ],
        compiler_params=pltpu.CompilerParams(use_tc_tiling_on_sc=False),
    )
    return fn(weight, idx_flat)


def kernel(input, weight):
    idx_flat = input.reshape(-1).astype(jnp.int32)
    out = _embedding_lookup(idx_flat, weight)
    return out.reshape(BATCH, HIST, EMBED_DIM)

# --- scband reference (transcript-rebuilt; emitter-appended) ---
"""Pipeline reference for scband-tensor-parallel-column-embedding-21251498180847 (READ-ONLY COPY).

The authoritative reference and input builder live on the scoring server;
editing this copy changes nothing except your own understanding.
"""

import jax, jax.numpy as jnp
import numpy as np

VOCAB = 1000000
EMBED_DIM = 64  # per-shard column slice
BATCH = 4096
HIST = 200

def setup_inputs(seed: int = 0) -> dict:
    key = jax.random.key(seed)
    k_idx, k_w = jax.random.split(key)
    input_ids = jax.random.randint(k_idx, (BATCH, HIST), 0, VOCAB, dtype=jnp.int64)
    # learned parameter: the (column-sharded) embedding table slice
    weight = jax.random.normal(k_w, (VOCAB, EMBED_DIM), dtype=jnp.float32) * 0.02
    return {"input": input_ids, "weight": weight}

def reference(input, weight):
    # TensorParallelColumnEmbedding forward: plain embedding lookup on the
    # locally-held column shard of the table. On a single device this is
    # exactly F.embedding(input, weight); the all-gather over embedding dim
    # is a no-op for world_size=1.
    out = jnp.take(weight, input, axis=0)  # [B, L, embed_dim_shard]
    return out

if __name__ == "__main__":
    import jax
    _d = setup_inputs()
    print(jax.jit(kernel)(*tuple(_d.values())))

</pallas_src>

<mosaic_0001>
#map = affine_map<(d0, d1) -> (0, 0)>
#map1 = affine_map<(d0, d1) -> (0)>
module attributes {stable_mosaic.version = 14 : i64} {
  func.func @_gather_body(%arg0: i32, %arg1: i32, %arg2: memref<1000000x64xf32, #tpu.memory_space<hbm>>, %arg3: memref<819200xi32, #tpu.memory_space<hbm>>, %arg4: memref<819200x64xf32, #tpu.memory_space<hbm>>, %arg5: memref<25600xi32, #tpu.memory_space<vmem>>, %arg6: memref<400x64xf32, #tpu.memory_space<vmem>>, %arg7: memref<400x64xf32, #tpu.memory_space<vmem>>, %arg8: memref<400x64xf32, #tpu.memory_space<vmem>>, %arg9: memref<400x64xf32, #tpu.memory_space<vmem>>, %arg10: memref<4x!tpu.dma_semaphore, #tpu.memory_space<semaphore_mem>>, %arg11: memref<4x!tpu.dma_semaphore, #tpu.memory_space<semaphore_mem>>) attributes {dimension_semantics = [#tpu.dimension_semantics<core_parallel>, #tpu.dimension_semantics<subcore_parallel>], iteration_bounds = array<i64: 2, 16>, scalar_prefetch = 0 : i64, scratch_operands = 7 : i64, tpu.core_type = #tpu.core_type<sc_vector_subcore>, window_params = [{transform_indices = #map}, {transform_indices = #map1}, {transform_indices = #map}]} {
    %mul3A = arith.constant 2 : i32
    %mul3A_0 = arith.muli %arg1, %mul3A : i32
    %add3A = arith.addi %mul3A_0, %arg0 : i32
    %mul3A_1 = arith.constant 25600 : i32
    %mul3A_2 = arith.muli %add3A, %mul3A_1 : i32
    "tpu.region"() ({
      %run_scoped3A = tpu.sem_alloc : memref<!tpu.dma_semaphore, #tpu.memory_space<semaphore_mem>>
      %dma_start3A_141 = tpu.memref_slice %arg3[%mul3A_2] : memref<819200xi32, #tpu.memory_space<hbm>> -> memref<25600xi32, #tpu.memory_space<hbm>>
      %dma_start3A_142 = tpu.memref_slice %arg3[%mul3A_2] : memref<819200xi32, #tpu.memory_space<hbm>> -> memref<25600xi32, #tpu.memory_space<hbm>>
      tpu.enqueue_dma source(%dma_start3A_142 : memref<25600xi32, #tpu.memory_space<hbm>>) target(%arg5 : memref<25600xi32, #tpu.memory_space<vmem>>) target_semaphore(%run_scoped3A : memref<!tpu.dma_semaphore, #tpu.memory_space<semaphore_mem>>)
      %dma_wait3A_143 = tpu.memref_slice %arg3[%mul3A_2] : memref<819200xi32, #tpu.memory_space<hbm>> -> memref<25600xi32, #tpu.memory_space<hbm>>
      %dma_wait3A_144 = tpu.memref_slice %arg3[%mul3A_2] : memref<819200xi32, #tpu.memory_space<hbm>> -> memref<25600xi32, #tpu.memory_space<hbm>>
      tpu.wait_dma2 semaphore(%run_scoped3A : memref<!tpu.dma_semaphore, #tpu.memory_space<semaphore_mem>>) src(%dma_wait3A_144 : memref<25600xi32, #tpu.memory_space<hbm>>) dst(%arg5 : memref<25600xi32, #tpu.memory_space<vmem>>)
      tpu.yield
    }) : () -> ()
    %multiple_of3A = arith.constant 0 : i32
    %multiple_of3A_3 = tpu.assume_multiple %multiple_of3A, 400 : i32
    %dma_start3A = arith.constant 0 : i32
    %dma_start3A_4 = tpu.memref_slice %arg5[%multiple_of3A_3] : memref<25600xi32, #tpu.memory_space<vmem>> -> memref<400xi32, #tpu.memory_space<vmem>>
    %dma_start3A_5 = arith.constant 0 : i32
    %dma_start3A_6 = arith.constant 0 : i32
    %dma_start3A_7 = tpu.memref_slice %arg2[%dma_start3A_5, %dma_start3A_6] : memref<1000000x64xf32, #tpu.memory_space<hbm>> -> memref<1000000x64xf32, #tpu.memory_space<hbm>>
    %dma_start3A_8 = tpu.memref_slice %arg10[%dma_start3A] : memref<4x!tpu.dma_semaphore, #tpu.memory_space<semaphore_mem>> -> memref<1x!tpu.dma_semaphore, #tpu.memory_space<semaphore_mem>>
    %dma_start3A_9 = tpu.memref_squeeze %dma_start3A_8 : memref<1x!tpu.dma_semaphore, #tpu.memory_space<semaphore_mem>> -> memref<!tpu.dma_semaphore, #tpu.memory_space<semaphore_mem>>
    tpu.enqueue_indirect_dma source(%dma_start3A_7 : memref<1000000x64xf32, #tpu.memory_space<hbm>>) target(%arg6 : memref<400x64xf32, #tpu.memory_space<vmem>>) offsets(%dma_start3A_4 : memref<400xi32, #tpu.memory_space<vmem>>) semaphore(%dma_start3A_9 : memref<!tpu.dma_semaphore, #tpu.memory_space<semaphore_mem>>)
    %multiple_of3A_10 = arith.constant 400 : i32
    %multiple_of3A_11 = tpu.assume_multiple %multiple_of3A_10, 400 : i32
    %dma_start3A_12 = arith.constant 1 : i32
    %dma_start3A_13 = tpu.memref_slice %arg5[%multiple_of3A_11] : memref<25600xi32, #tpu.memory_space<vmem>> -> memref<400xi32, #tpu.memory_space<vmem>>
    %dma_start3A_14 = arith.constant 0 : i32
    %dma_start3A_15 = arith.constant 0 : i32
    %dma_start3A_16 = tpu.memref_slice %arg2[%dma_start3A_14, %dma_start3A_15] : memref<1000000x64xf32, #tpu.memory_space<hbm>> -> memref<1000000x64xf32, #tpu.memory_space<hbm>>
    %dma_start3A_17 = tpu.memref_slice %arg10[%dma_start3A_12] : memref<4x!tpu.dma_semaphore, #tpu.memory_space<semaphore_mem>> -> memref<1x!tpu.dma_semaphore, #tpu.memory_space<semaphore_mem>>
    %dma_start3A_18 = tpu.memref_squeeze %dma_start3A_17 : memref<1x!tpu.dma_semaphore, #tpu.memory_space<semaphore_mem>> -> memref<!tpu.dma_semaphore, #tpu.memory_space<semaphore_mem>>
    tpu.enqueue_indirect_dma source(%dma_start3A_16 : memref<1000000x64xf32, #tpu.memory_space<hbm>>) target(%arg7 : memref<400x64xf32, #tpu.memory_space<vmem>>) offsets(%dma_start3A_13 : memref<400xi32, #tpu.memory_space<vmem>>) semaphore(%dma_start3A_18 : memref<!tpu.dma_semaphore, #tpu.memory_space<semaphore_mem>>)
    %multiple_of3A_19 = arith.constant 800 : i32
    %multiple_of3A_20 = tpu.assume_multiple %multiple_of3A_19, 400 : i32
    %dma_start3A_21 = arith.constant 2 : i32
    %dma_start3A_22 = tpu.memref_slice %arg5[%multiple_of3A_20] : memref<25600xi32, #tpu.memory_space<vmem>> -> memref<400xi32, #tpu.memory_space<vmem>>
    %dma_start3A_23 = arith.constant 0 : i32
    %dma_start3A_24 = arith.constant 0 : i32
    %dma_start3A_25 = tpu.memref_slice %arg2[%dma_start3A_23, %dma_start3A_24] : memref<1000000x64xf32, #tpu.memory_space<hbm>> -> memref<1000000x64xf32, #tpu.memory_space<hbm>>
    %dma_start3A_26 = tpu.memref_slice %arg10[%dma_start3A_21] : memref<4x!tpu.dma_semaphore, #tpu.memory_space<semaphore_mem>> -> memref<1x!tpu.dma_semaphore, #tpu.memory_space<semaphore_mem>>
    %dma_start3A_27 = tpu.memref_squeeze %dma_start3A_26 : memref<1x!tpu.dma_semaphore, #tpu.memory_space<semaphore_mem>> -> memref<!tpu.dma_semaphore, #tpu.memory_space<semaphore_mem>>
    tpu.enqueue_indirect_dma source(%dma_start3A_25 : memref<1000000x64xf32, #tpu.memory_space<hbm>>) target(%arg8 : memref<400x64xf32, #tpu.memory_space<vmem>>) offsets(%dma_start3A_22 : memref<400xi32, #tpu.memory_space<vmem>>) semaphore(%dma_start3A_27 : memref<!tpu.dma_semaphore, #tpu.memory_space<semaphore_mem>>)
    %multiple_of3A_28 = arith.constant 1200 : i32
    %multiple_of3A_29 = tpu.assume_multiple %multiple_of3A_28, 400 : i32
    %dma_start3A_30 = arith.constant 3 : i32
    %dma_start3A_31 = tpu.memref_slice %arg5[%multiple_of3A_29] : memref<25600xi32, #tpu.memory_space<vmem>> -> memref<400xi32, #tpu.memory_space<vmem>>
    %dma_start3A_32 = arith.constant 0 : i32
    %dma_start3A_33 = arith.constant 0 : i32
    %dma_start3A_34 = tpu.memref_slice %arg2[%dma_start3A_32, %dma_start3A_33] : memref<1000000x64xf32, #tpu.memory_space<hbm>> -> memref<1000000x64xf32, #tpu.memory_space<hbm>>
    %dma_start3A_35 = tpu.memref_slice %arg10[%dma_start3A_30] : memref<4x!tpu.dma_semaphore, #tpu.memory_space<semaphore_mem>> -> memref<1x!tpu.dma_semaphore, #tpu.memory_space<semaphore_mem>>
    %dma_start3A_36 = tpu.memref_squeeze %dma_start3A_35 : memref<1x!tpu.dma_semaphore, #tpu.memory_space<semaphore_mem>> -> memref<!tpu.dma_semaphore, #tpu.memory_space<semaphore_mem>>
    tpu.enqueue_indirect_dma source(%dma_start3A_34 : memref<1000000x64xf32, #tpu.memory_space<hbm>>) target(%arg9 : memref<400x64xf32, #tpu.memory_space<vmem>>) offsets(%dma_start3A_31 : memref<400xi32, #tpu.memory_space<vmem>>) semaphore(%dma_start3A_36 : memref<!tpu.dma_semaphore, #tpu.memory_space<semaphore_mem>>)
    %scan3A = arith.constant 0 : i32
    %scan3A_37 = arith.constant 0 : i32
    %scan3A_38 = arith.constant 15 : i32
    %scan3A_39 = arith.addi %scan3A_37, %scan3A_38 : i32
    %scan3A_40 = arith.constant 1 : i32
    scf.for %scan3A_141 = %scan3A_37 to %scan3A_39 step %scan3A_40  : i32 {
      %mul3A_142 = arith.constant 4 : i32
      %mul3A_143 = arith.muli %scan3A_141, %mul3A_142 : i32
      %dma_wait3A_144 = arith.constant 0 : i32
      %dma_wait3A_145 = arith.constant 0 : i32
      %dma_wait3A_146 = tpu.memref_slice %arg5[%dma_wait3A_145] : memref<25600xi32, #tpu.memory_space<vmem>> -> memref<400xi32, #tpu.memory_space<vmem>>
      %dma_wait3A_147 = arith.constant 0 : i32
      %dma_wait3A_148 = arith.constant 0 : i32
      %dma_wait3A_149 = tpu.memref_slice %arg2[%dma_wait3A_147, %dma_wait3A_148] : memref<1000000x64xf32, #tpu.memory_space<hbm>> -> memref<1000000x64xf32, #tpu.memory_space<hbm>>
      %dma_wait3A_150 = tpu.memref_slice %arg10[%dma_wait3A_144] : memref<4x!tpu.dma_semaphore, #tpu.memory_space<semaphore_mem>> -> memref<1x!tpu.dma_semaphore, #tpu.memory_space<semaphore_mem>>
      %dma_wait3A_151 = tpu.memref_squeeze %dma_wait3A_150 : memref<1x!tpu.dma_semaphore, #tpu.memory_space<semaphore_mem>> -> memref<!tpu.dma_semaphore, #tpu.memory_space<semaphore_mem>>
      tpu.wait_indirect_dma semaphore(%dma_wait3A_151 : memref<!tpu.dma_semaphore, #tpu.memory_space<semaphore_mem>>) src(%dma_wait3A_149 : memref<1000000x64xf32, #tpu.memory_space<hbm>>) dst(%arg6 : memref<400x64xf32, #tpu.memory_space<vmem>>)
      %add3A_152 = arith.constant 0 : i32
      %add3A_153 = arith.addi %mul3A_143, %add3A_152 : i32
      %mul3A_154 = arith.constant 400 : i32
      %mul3A_155 = arith.muli %add3A_153, %mul3A_154 : i32
      %multiple_of3A_156 = tpu.assume_multiple %mul3A_155, 400 : i32
      %add3A_157 = arith.addi %mul3A_2, %multiple_of3A_156 : i32
      %dma_start3A_158 = arith.constant 0 : i32
      %dma_start3A_159 = arith.constant 0 : i32
      %dma_start3A_160 = tpu.memref_slice %arg4[%add3A_157, %dma_start3A_159] : memref<819200x64xf32, #tpu.memory_space<hbm>> -> memref<400x64xf32, #tpu.memory_space<hbm>>
      %dma_start3A_161 = tpu.memref_slice %arg11[%dma_start3A_158] : memref<4x!tpu.dma_semaphore, #tpu.memory_space<semaphore_mem>> -> memref<1x!tpu.dma_semaphore, #tpu.memory_space<semaphore_mem>>
      %dma_start3A_162 = tpu.memref_squeeze %dma_start3A_161 : memref<1x!tpu.dma_semaphore, #tpu.memory_space<semaphore_mem>> -> memref<!tpu.dma_semaphore, #tpu.memory_space<semaphore_mem>>
      %dma_start3A_163 = arith.constant 0 : i32
      %dma_start3A_164 = tpu.memref_slice %arg4[%add3A_157, %dma_start3A_163] : memref<819200x64xf32, #tpu.memory_space<hbm>> -> memref<400x64xf32, #tpu.memory_space<hbm>>
      tpu.enqueue_dma source(%arg6 : memref<400x64xf32, #tpu.memory_space<vmem>>) target(%dma_start3A_164 : memref<400x64xf32, #tpu.memory_space<hbm>>) target_semaphore(%dma_start3A_162 : memref<!tpu.dma_semaphore, #tpu.memory_space<semaphore_mem>>)
      %dma_wait3A_165 = arith.constant 1 : i32
      %dma_wait3A_166 = arith.constant 0 : i32
      %dma_wait3A_167 = tpu.memref_slice %arg5[%dma_wait3A_166] : memref<25600xi32, #tpu.memory_space<vmem>> -> memref<400xi32, #tpu.memory_space<vmem>>
      %dma_wait3A_168 = arith.constant 0 : i32
      %dma_wait3A_169 = arith.constant 0 : i32
      %dma_wait3A_170 = tpu.memref_slice %arg2[%dma_wait3A_168, %dma_wait3A_169] : memref<1000000x64xf32, #tpu.memory_space<hbm>> -> memref<1000000x64xf32, #tpu.memory_space<hbm>>
      %dma_wait3A_171 = tpu.memref_slice %arg10[%dma_wait3A_165] : memref<4x!tpu.dma_semaphore, #tpu.memory_space<semaphore_mem>> -> memref<1x!tpu.dma_semaphore, #tpu.memory_space<semaphore_mem>>
      %dma_wait3A_172 = tpu.memref_squeeze %dma_wait3A_171 : memref<1x!tpu.dma_semaphore, #tpu.memory_space<semaphore_mem>> -> memref<!tpu.dma_semaphore, #tpu.memory_space<semaphore_mem>>
      tpu.wait_indirect_dma semaphore(%dma_wait3A_172 : memref<!tpu.dma_semaphore, #tpu.memory_space<semaphore_mem>>) src(%dma_wait3A_170 : memref<1000000x64xf32, #tpu.memory_space<hbm>>) dst(%arg7 : memref<400x64xf32, #tpu.memory_space<vmem>>)
      %add3A_173 = arith.constant 1 : i32
      %add3A_174 = arith.addi %mul3A_143, %add3A_173 : i32
      %mul3A_175 = arith.constant 400 : i32
      %mul3A_176 = arith.muli %add3A_174, %mul3A_175 : i32
      %multiple_of3A_177 = tpu.assume_multiple %mul3A_176, 400 : i32
      %add3A_178 = arith.addi %mul3A_2, %multiple_of3A_177 : i32
      %dma_start3A_179 = arith.constant 1 : i32
      %dma_start3A_180 = arith.constant 0 : i32
      %dma_start3A_181 = tpu.memref_slice %arg4[%add3A_178, %dma_start3A_180] : memref<819200x64xf32, #tpu.memory_space<hbm>> -> memref<400x64xf32, #tpu.memory_space<hbm>>
      %dma_start3A_182 = tpu.memref_slice %arg11[%dma_start3A_179] : memref<4x!tpu.dma_semaphore, #tpu.memory_space<semaphore_mem>> -> memref<1x!tpu.dma_semaphore, #tpu.memory_space<semaphore_mem>>
      %dma_start3A_183 = tpu.memref_squeeze %dma_start3A_182 : memref<1x!tpu.dma_semaphore, #tpu.memory_space<semaphore_mem>> -> memref<!tpu.dma_semaphore, #tpu.memory_space<semaphore_mem>>
      %dma_start3A_184 = arith.constant 0 : i32
      %dma_start3A_185 = tpu.memref_slice %arg4[%add3A_178, %dma_start3A_184] : memref<819200x64xf32, #tpu.memory_space<hbm>> -> memref<400x64xf32, #tpu.memory_space<hbm>>
      tpu.enqueue_dma source(%arg7 : memref<400x64xf32, #tpu.memory_space<vmem>>) target(%dma_start3A_185 : memref<400x64xf32, #tpu.memory_space<hbm>>) target_semaphore(%dma_start3A_183 : memref<!tpu.dma_semaphore, #tpu.memory_space<semaphore_mem>>)
      %dma_wait3A_186 = arith.constant 2 : i32
      %dma_wait3A_187 = arith.constant 0 : i32
      %dma_wait3A_188 = tpu.memref_slice %arg5[%dma_wait3A_187] : memref<25600xi32, #tpu.memory_space<vmem>> -> memref<400xi32, #tpu.memory_space<vmem>>
      %dma_wait3A_189 = arith.constant 0 : i32
      %dma_wait3A_190 = arith.constant 0 : i32
      %dma_wait3A_191 = tpu.memref_slice %arg2[%dma_wait3A_189, %dma_wait3A_190] : memref<1000000x64xf32, #tpu.memory_space<hbm>> -> memref<1000000x64xf32, #tpu.memory_space<hbm>>
      %dma_wait3A_192 = tpu.memref_slice %arg10[%dma_wait3A_186] : memref<4x!tpu.dma_semaphore, #tpu.memory_space<semaphore_mem>> -> memref<1x!tpu.dma_semaphore, #tpu.memory_space<semaphore_mem>>
      %dma_wait3A_193 = tpu.memref_squeeze %dma_wait3A_192 : memref<1x!tpu.dma_semaphore, #tpu.memory_space<semaphore_mem>> -> memref<!tpu.dma_semaphore, #tpu.memory_space<semaphore_mem>>
      tpu.wait_indirect_dma semaphore(%dma_wait3A_193 : memref<!tpu.dma_semaphore, #tpu.memory_space<semaphore_mem>>) src(%dma_wait3A_191 : memref<1000000x64xf32, #tpu.memory_space<hbm>>) dst(%arg8 : memref<400x64xf32, #tpu.memory_space<vmem>>)
      %add3A_194 = arith.constant 2 : i32
      %add3A_195 = arith.addi %mul3A_143, %add3A_194 : i32
      %mul3A_196 = arith.constant 400 : i32
      %mul3A_197 = arith.muli %add3A_195, %mul3A_196 : i32
      %multiple_of3A_198 = tpu.assume_multiple %mul3A_197, 400 : i32
      %add3A_199 = arith.addi %mul3A_2, %multiple_of3A_198 : i32
      %dma_start3A_200 = arith.constant 2 : i32
      %dma_start3A_201 = arith.constant 0 : i32
      %dma_start3A_202 = tpu.memref_slice %arg4[%add3A_199, %dma_start3A_201] : memref<819200x64xf32, #tpu.memory_space<hbm>> -> memref<400x64xf32, #tpu.memory_space<hbm>>
      %dma_start3A_203 = tpu.memref_slice %arg11[%dma_start3A_200] : memref<4x!tpu.dma_semaphore, #tpu.memory_space<semaphore_mem>> -> memref<1x!tpu.dma_semaphore, #tpu.memory_space<semaphore_mem>>
      %dma_start3A_204 = tpu.memref_squeeze %dma_start3A_203 : memref<1x!tpu.dma_semaphore, #tpu.memory_space<semaphore_mem>> -> memref<!tpu.dma_semaphore, #tpu.memory_space<semaphore_mem>>
      %dma_start3A_205 = arith.constant 0 : i32
      %dma_start3A_206 = tpu.memref_slice %arg4[%add3A_199, %dma_start3A_205] : memref<819200x64xf32, #tpu.memory_space<hbm>> -> memref<400x64xf32, #tpu.memory_space<hbm>>
      tpu.enqueue_dma source(%arg8 : memref<400x64xf32, #tpu.memory_space<vmem>>) target(%dma_start3A_206 : memref<400x64xf32, #tpu.memory_space<hbm>>) target_semaphore(%dma_start3A_204 : memref<!tpu.dma_semaphore, #tpu.memory_space<semaphore_mem>>)
      %dma_wait3A_207 = arith.constant 3 : i32
      %dma_wait3A_208 = arith.constant 0 : i32
      %dma_wait3A_209 = tpu.memref_slice %arg5[%dma_wait3A_208] : memref<25600xi32, #tpu.memory_space<vmem>> -> memref<400xi32, #tpu.memory_space<vmem>>
      %dma_wait3A_210 = arith.constant 0 : i32
      %dma_wait3A_211 = arith.constant 0 : i32
      %dma_wait3A_212 = tpu.memref_slice %arg2[%dma_wait3A_210, %dma_wait3A_211] : memref<1000000x64xf32, #tpu.memory_space<hbm>> -> memref<1000000x64xf32, #tpu.memory_space<hbm>>
      %dma_wait3A_213 = tpu.memref_slice %arg10[%dma_wait3A_207] : memref<4x!tpu.dma_semaphore, #tpu.memory_space<semaphore_mem>> -> memref<1x!tpu.dma_semaphore, #tpu.memory_space<semaphore_mem>>
      %dma_wait3A_214 = tpu.memref_squeeze %dma_wait3A_213 : memref<1x!tpu.dma_semaphore, #tpu.memory_space<semaphore_mem>> -> memref<!tpu.dma_semaphore, #tpu.memory_space<semaphore_mem>>
      tpu.wait_indirect_dma semaphore(%dma_wait3A_214 : memref<!tpu.dma_semaphore, #tpu.memory_space<semaphore_mem>>) src(%dma_wait3A_212 : memref<1000000x64xf32, #tpu.memory_space<hbm>>) dst(%arg9 : memref<400x64xf32, #tpu.memory_space<vmem>>)
      %add3A_215 = arith.constant 3 : i32
      %add3A_216 = arith.addi %mul3A_143, %add3A_215 : i32
      %mul3A_217 = arith.constant 400 : i32
      %mul3A_218 = arith.muli %add3A_216, %mul3A_217 : i32
      %multiple_of3A_219 = tpu.assume_multiple %mul3A_218, 400 : i32
      %add3A_220 = arith.addi %mul3A_2, %multiple_of3A_219 : i32
      %dma_start3A_221 = arith.constant 3 : i32
      %dma_start3A_222 = arith.constant 0 : i32
      %dma_start3A_223 = tpu.memref_slice %arg4[%add3A_220, %dma_start3A_222] : memref<819200x64xf32, #tpu.memory_space<hbm>> -> memref<400x64xf32, #tpu.memory_space<hbm>>
      %dma_start3A_224 = tpu.memref_slice %arg11[%dma_start3A_221] : memref<4x!tpu.dma_semaphore, #tpu.memory_space<semaphore_mem>> -> memref<1x!tpu.dma_semaphore, #tpu.memory_space<semaphore_mem>>
      %dma_start3A_225 = tpu.memref_squeeze %dma_start3A_224 : memref<1x!tpu.dma_semaphore, #tpu.memory_space<semaphore_mem>> -> memref<!tpu.dma_semaphore, #tpu.memory_space<semaphore_mem>>
      %dma_start3A_226 = arith.constant 0 : i32
      %dma_start3A_227 = tpu.memref_slice %arg4[%add3A_220, %dma_start3A_226] : memref<819200x64xf32, #tpu.memory_space<hbm>> -> memref<400x64xf32, #tpu.memory_space<hbm>>
      tpu.enqueue_dma source(%arg9 : memref<400x64xf32, #tpu.memory_space<vmem>>) target(%dma_start3A_227 : memref<400x64xf32, #tpu.memory_space<hbm>>) target_semaphore(%dma_start3A_225 : memref<!tpu.dma_semaphore, #tpu.memory_space<semaphore_mem>>)
      %dma_wait3A_228 = arith.constant 0 : i32
      %dma_wait3A_229 = arith.constant 0 : i32
      %dma_wait3A_230 = tpu.memref_slice %arg4[%mul3A_2, %dma_wait3A_229] : memref<819200x64xf32, #tpu.memory_space<hbm>> -> memref<400x64xf32, #tpu.memory_space<hbm>>
      %dma_wait3A_231 = tpu.memref_slice %arg11[%dma_wait3A_228] : memref<4x!tpu.dma_semaphore, #tpu.memory_space<semaphore_mem>> -> memref<1x!tpu.dma_semaphore, #tpu.memory_space<semaphore_mem>>
      %dma_wait3A_232 = tpu.memref_squeeze %dma_wait3A_231 : memref<1x!tpu.dma_semaphore, #tpu.memory_space<semaphore_mem>> -> memref<!tpu.dma_semaphore, #tpu.memory_space<semaphore_mem>>
      %dma_wait3A_233 = arith.constant 0 : i32
      %dma_wait3A_234 = tpu.memref_slice %arg4[%mul3A_2, %dma_wait3A_233] : memref<819200x64xf32, #tpu.memory_space<hbm>> -> memref<400x64xf32, #tpu.memory_space<hbm>>
      tpu.wait_dma2 semaphore(%dma_wait3A_232 : memref<!tpu.dma_semaphore, #tpu.memory_space<semaphore_mem>>) src(%arg6 : memref<400x64xf32, #tpu.memory_space<vmem>>) dst(%dma_wait3A_234 : memref<400x64xf32, #tpu.memory_space<hbm>>)
      %add3A_235 = arith.constant 4 : i32
      %add3A_236 = arith.addi %mul3A_143, %add3A_235 : i32
      %add3A_237 = arith.constant 0 : i32
      %add3A_238 = arith.addi %add3A_236, %add3A_237 : i32
      %mul3A_239 = arith.constant 400 : i32
      %mul3A_240 = arith.muli %add3A_238, %mul3A_239 : i32
      %multiple_of3A_241 = tpu.assume_multiple %mul3A_240, 400 : i32
      %dma_start3A_242 = arith.constant 0 : i32
      %dma_start3A_243 = tpu.memref_slice %arg5[%multiple_of3A_241] : memref<25600xi32, #tpu.memory_space<vmem>> -> memref<400xi32, #tpu.memory_space<vmem>>
      %dma_start3A_244 = arith.constant 0 : i32
      %dma_start3A_245 = arith.constant 0 : i32
      %dma_start3A_246 = tpu.memref_slice %arg2[%dma_start3A_244, %dma_start3A_245] : memref<1000000x64xf32, #tpu.memory_space<hbm>> -> memref<1000000x64xf32, #tpu.memory_space<hbm>>
      %dma_start3A_247 = tpu.memref_slice %arg10[%dma_start3A_242] : memref<4x!tpu.dma_semaphore, #tpu.memory_space<semaphore_mem>> -> memref<1x!tpu.dma_semaphore, #tpu.memory_space<semaphore_mem>>
      %dma_start3A_248 = tpu.memref_squeeze %dma_start3A_247 : memref<1x!tpu.dma_semaphore, #tpu.memory_space<semaphore_mem>> -> memref<!tpu.dma_semaphore, #tpu.memory_space<semaphore_mem>>
      tpu.enqueue_indirect_dma source(%dma_start3A_246 : memref<1000000x64xf32, #tpu.memory_space<hbm>>) target(%arg6 : memref<400x64xf32, #tpu.memory_space<vmem>>) offsets(%dma_start3A_243 : memref<400xi32, #tpu.memory_space<vmem>>) semaphore(%dma_start3A_248 : memref<!tpu.dma_semaphore, #tpu.memory_space<semaphore_mem>>)
      %dma_wait3A_249 = arith.constant 1 : i32
      %dma_wait3A_250 = arith.constant 0 : i32
      %dma_wait3A_251 = tpu.memref_slice %arg4[%mul3A_2, %dma_wait3A_250] : memref<819200x64xf32, #tpu.memory_space<hbm>> -> memref<400x64xf32, #tpu.memory_space<hbm>>
      %dma_wait3A_252 = tpu.memref_slice %arg11[%dma_wait3A_249] : memref<4x!tpu.dma_semaphore, #tpu.memory_space<semaphore_mem>> -> memref<1x!tpu.dma_semaphore, #tpu.memory_space<semaphore_mem>>
      %dma_wait3A_253 = tpu.memref_squeeze %dma_wait3A_252 : memref<1x!tpu.dma_semaphore, #tpu.memory_space<semaphore_mem>> -> memref<!tpu.dma_semaphore, #tpu.memory_space<semaphore_mem>>
      %dma_wait3A_254 = arith.constant 0 : i32
      %dma_wait3A_255 = tpu.memref_slice %arg4[%mul3A_2, %dma_wait3A_254] : memref<819200x64xf32, #tpu.memory_space<hbm>> -> memref<400x64xf32, #tpu.memory_space<hbm>>
      tpu.wait_dma2 semaphore(%dma_wait3A_253 : memref<!tpu.dma_semaphore, #tpu.memory_space<semaphore_mem>>) src(%arg7 : memref<400x64xf32, #tpu.memory_space<vmem>>) dst(%dma_wait3A_255 : memref<400x64xf32, #tpu.memory_space<hbm>>)
      %add3A_256 = arith.constant 4 : i32
      %add3A_257 = arith.addi %mul3A_143, %add3A_256 : i32
      %add3A_258 = arith.constant 1 : i32
      %add3A_259 = arith.addi %add3A_257, %add3A_258 : i32
      %mul3A_260 = arith.constant 400 : i32
      %mul3A_261 = arith.muli %add3A_259, %mul3A_260 : i32
      %multiple_of3A_262 = tpu.assume_multiple %mul3A_261, 400 : i32
      %dma_start3A_263 = arith.constant 1 : i32
      %dma_start3A_264 = tpu.memref_slice %arg5[%multiple_of3A_262] : memref<25600xi32, #tpu.memory_space<vmem>> -> memref<400xi32, #tpu.memory_space<vmem>>
      %dma_start3A_265 = arith.constant 0 : i32
      %dma_start3A_266 = arith.constant 0 : i32
      %dma_start3A_267 = tpu.memref_slice %arg2[%dma_start3A_265, %dma_start3A_266] : memref<1000000x64xf32, #tpu.memory_space<hbm>> -> memref<1000000x64xf32, #tpu.memory_space<hbm>>
      %dma_start3A_268 = tpu.memref_slice %arg10[%dma_start3A_263] : memref<4x!tpu.dma_semaphore, #tpu.memory_space<semaphore_mem>> -> memref<1x!tpu.dma_semaphore, #tpu.memory_space<semaphore_mem>>
      %dma_start3A_269 = tpu.memref_squeeze %dma_start3A_268 : memref<1x!tpu.dma_semaphore, #tpu.memory_space<semaphore_mem>> -> memref<!tpu.dma_semaphore, #tpu.memory_space<semaphore_mem>>
      tpu.enqueue_indirect_dma source(%dma_start3A_267 : memref<1000000x64xf32, #tpu.memory_space<hbm>>) target(%arg7 : memref<400x64xf32, #tpu.memory_space<vmem>>) offsets(%dma_start3A_264 : memref<400xi32, #tpu.memory_space<vmem>>) semaphore(%dma_start3A_269 : memref<!tpu.dma_semaphore, #tpu.memory_space<semaphore_mem>>)
      %dma_wait3A_270 = arith.constant 2 : i32
      %dma_wait3A_271 = arith.constant 0 : i32
      %dma_wait3A_272 = tpu.memref_slice %arg4[%mul3A_2, %dma_wait3A_271] : memref<819200x64xf32, #tpu.memory_space<hbm>> -> memref<400x64xf32, #tpu.memory_space<hbm>>
      %dma_wait3A_273 = tpu.memref_slice %arg11[%dma_wait3A_270] : memref<4x!tpu.dma_semaphore, #tpu.memory_space<semaphore_mem>> -> memref<1x!tpu.dma_semaphore, #tpu.memory_space<semaphore_mem>>
      %dma_wait3A_274 = tpu.memref_squeeze %dma_wait3A_273 : memref<1x!tpu.dma_semaphore, #tpu.memory_space<semaphore_mem>> -> memref<!tpu.dma_semaphore, #tpu.memory_space<semaphore_mem>>
      %dma_wait3A_275 = arith.constant 0 : i32
      %dma_wait3A_276 = tpu.memref_slice %arg4[%mul3A_2, %dma_wait3A_275] : memref<819200x64xf32, #tpu.memory_space<hbm>> -> memref<400x64xf32, #tpu.memory_space<hbm>>
      tpu.wait_dma2 semaphore(%dma_wait3A_274 : memref<!tpu.dma_semaphore, #tpu.memory_space<semaphore_mem>>) src(%arg8 : memref<400x64xf32, #tpu.memory_space<vmem>>) dst(%dma_wait3A_276 : memref<400x64xf32, #tpu.memory_space<hbm>>)
      %add3A_277 = arith.constant 4 : i32
      %add3A_278 = arith.addi %mul3A_143, %add3A_277 : i32
      %add3A_279 = arith.constant 2 : i32
      %add3A_280 = arith.addi %add3A_278, %add3A_279 : i32
      %mul3A_281 = arith.constant 400 : i32
      %mul3A_282 = arith.muli %add3A_280, %mul3A_281 : i32
      %multiple_of3A_283 = tpu.assume_multiple %mul3A_282, 400 : i32
      %dma_start3A_284 = arith.constant 2 : i32
      %dma_start3A_285 = tpu.memref_slice %arg5[%multiple_of3A_283] : memref<25600xi32, #tpu.memory_space<vmem>> -> memref<400xi32, #tpu.memory_space<vmem>>
      %dma_start3A_286 = arith.constant 0 : i32
      %dma_start3A_287 = arith.constant 0 : i32
      %dma_start3A_288 = tpu.memref_slice %arg2[%dma_start3A_286, %dma_start3A_287] : memref<1000000x64xf32, #tpu.memory_space<hbm>> -> memref<1000000x64xf32, #tpu.memory_space<hbm>>
      %dma_start3A_289 = tpu.memref_slice %arg10[%dma_start3A_284] : memref<4x!tpu.dma_semaphore, #tpu.memory_space<semaphore_mem>> -> memref<1x!tpu.dma_semaphore, #tpu.memory_space<semaphore_mem>>
      %dma_start3A_290 = tpu.memref_squeeze %dma_start3A_289 : memref<1x!tpu.dma_semaphore, #tpu.memory_space<semaphore_mem>> -> memref<!tpu.dma_semaphore, #tpu.memory_space<semaphore_mem>>
      tpu.enqueue_indirect_dma source(%dma_start3A_288 : memref<1000000x64xf32, #tpu.memory_space<hbm>>) target(%arg8 : memref<400x64xf32, #tpu.memory_space<vmem>>) offsets(%dma_start3A_285 : memref<400xi32, #tpu.memory_space<vmem>>) semaphore(%dma_start3A_290 : memref<!tpu.dma_semaphore, #tpu.memory_space<semaphore_mem>>)
      %dma_wait3A_291 = arith.constant 3 : i32
      %dma_wait3A_292 = arith.constant 0 : i32
      %dma_wait3A_293 = tpu.memref_slice %arg4[%mul3A_2, %dma_wait3A_292] : memref<819200x64xf32, #tpu.memory_space<hbm>> -> memref<400x64xf32, #tpu.memory_space<hbm>>
      %dma_wait3A_294 = tpu.memref_slice %arg11[%dma_wait3A_291] : memref<4x!tpu.dma_semaphore, #tpu.memory_space<semaphore_mem>> -> memref<1x!tpu.dma_semaphore, #tpu.memory_space<semaphore_mem>>
      %dma_wait3A_295 = tpu.memref_squeeze %dma_wait3A_294 : memref<1x!tpu.dma_semaphore, #tpu.memory_space<semaphore_mem>> -> memref<!tpu.dma_semaphore, #tpu.memory_space<semaphore_mem>>
      %dma_wait3A_296 = arith.constant 0 : i32
      %dma_wait3A_297 = tpu.memref_slice %arg4[%mul3A_2, %dma_wait3A_296] : memref<819200x64xf32, #tpu.memory_space<hbm>> -> memref<400x64xf32, #tpu.memory_space<hbm>>
      tpu.wait_dma2 semaphore(%dma_wait3A_295 : memref<!tpu.dma_semaphore, #tpu.memory_space<semaphore_mem>>) src(%arg9 : memref<400x64xf32, #tpu.memory_space<vmem>>) dst(%dma_wait3A_297 : memref<400x64xf32, #tpu.memory_space<hbm>>)
      %add3A_298 = arith.constant 4 : i32
      %add3A_299 = arith.addi %mul3A_143, %add3A_298 : i32
      %add3A_300 = arith.constant 3 : i32
      %add3A_301 = arith.addi %add3A_299, %add3A_300 : i32
      %mul3A_302 = arith.constant 400 : i32
      %mul3A_303 = arith.muli %add3A_301, %mul3A_302 : i32
      %multiple_of3A_304 = tpu.assume_multiple %mul3A_303, 400 : i32
      %dma_start3A_305 = arith.constant 3 : i32
      %dma_start3A_306 = tpu.memref_slice %arg5[%multiple_of3A_304] : memref<25600xi32, #tpu.memory_space<vmem>> -> memref<400xi32, #tpu.memory_space<vmem>>
      %dma_start3A_307 = arith.constant 0 : i32
      %dma_start3A_308 = arith.constant 0 : i32
      %dma_start3A_309 = tpu.memref_slice %arg2[%dma_start3A_307, %dma_start3A_308] : memref<1000000x64xf32, #tpu.memory_space<hbm>> -> memref<1000000x64xf32, #tpu.memory_space<hbm>>
      %dma_start3A_310 = tpu.memref_slice %arg10[%dma_start3A_305] : memref<4x!tpu.dma_semaphore, #tpu.memory_space<semaphore_mem>> -> memref<1x!tpu.dma_semaphore, #tpu.memory_space<semaphore_mem>>
      %dma_start3A_311 = tpu.memref_squeeze %dma_start3A_310 : memref<1x!tpu.dma_semaphore, #tpu.memory_space<semaphore_mem>> -> memref<!tpu.dma_semaphore, #tpu.memory_space<semaphore_mem>>
      tpu.enqueue_indirect_dma source(%dma_start3A_309 : memref<1000000x64xf32, #tpu.memory_space<hbm>>) target(%arg9 : memref<400x64xf32, #tpu.memory_space<vmem>>) offsets(%dma_start3A_306 : memref<400xi32, #tpu.memory_space<vmem>>) semaphore(%dma_start3A_311 : memref<!tpu.dma_semaphore, #tpu.memory_space<semaphore_mem>>)
    }
    %scan3A_41 = arith.constant 15 : i32
    %dma_wait3A = arith.constant 0 : i32
    %dma_wait3A_42 = arith.constant 0 : i32
    %dma_wait3A_43 = tpu.memref_slice %arg5[%dma_wait3A_42] : memref<25600xi32, #tpu.memory_space<vmem>> -> memref<400xi32, #tpu.memory_space<vmem>>
    %dma_wait3A_44 = arith.constant 0 : i32
    %dma_wait3A_45 = arith.constant 0 : i32
    %dma_wait3A_46 = tpu.memref_slice %arg2[%dma_wait3A_44, %dma_wait3A_45] : memref<1000000x64xf32, #tpu.memory_space<hbm>> -> memref<1000000x64xf32, #tpu.memory_space<hbm>>
    %dma_wait3A_47 = tpu.memref_slice %arg10[%dma_wait3A] : memref<4x!tpu.dma_semaphore, #tpu.memory_space<semaphore_mem>> -> memref<1x!tpu.dma_semaphore, #tpu.memory_space<semaphore_mem>>
    %dma_wait3A_48 = tpu.memref_squeeze %dma_wait3A_47 : memref<1x!tpu.dma_semaphore, #tpu.memory_space<semaphore_mem>> -> memref<!tpu.dma_semaphore, #tpu.memory_space<semaphore_mem>>
    tpu.wait_indirect_dma semaphore(%dma_wait3A_48 : memref<!tpu.dma_semaphore, #tpu.memory_space<semaphore_mem>>) src(%dma_wait3A_46 : memref<1000000x64xf32, #tpu.memory_space<hbm>>) dst(%arg6 : memref<400x64xf32, #tpu.memory_space<vmem>>)
    %multiple_of3A_49 = arith.constant 24000 : i32
    %multiple_of3A_50 = tpu.assume_multiple %multiple_of3A_49, 400 : i32
    %add3A_51 = arith.addi %mul3A_2, %multiple_of3A_50 : i32
    %dma_start3A_52 = arith.constant 0 : i32
    %dma_start3A_53 = arith.constant 0 : i32
    %dma_start3A_54 = tpu.memref_slice %arg4[%add3A_51, %dma_start3A_53] : memref<819200x64xf32, #tpu.memory_space<hbm>> -> memref<400x64xf32, #tpu.memory_space<hbm>>
    %dma_start3A_55 = tpu.memref_slice %arg11[%dma_start3A_52] : memref<4x!tpu.dma_semaphore, #tpu.memory_space<semaphore_mem>> -> memref<1x!tpu.dma_semaphore, #tpu.memory_space<semaphore_mem>>
    %dma_start3A_56 = tpu.memref_squeeze %dma_start3A_55 : memref<1x!tpu.dma_semaphore, #tpu.memory_space<semaphore_mem>> -> memref<!tpu.dma_semaphore, #tpu.memory_space<semaphore_mem>>
    %dma_start3A_57 = arith.constant 0 : i32
    %dma_start3A_58 = tpu.memref_slice %arg4[%add3A_51, %dma_start3A_57] : memref<819200x64xf32, #tpu.memory_space<hbm>> -> memref<400x64xf32, #tpu.memory_space<hbm>>
    tpu.enqueue_dma source(%arg6 : memref<400x64xf32, #tpu.memory_space<vmem>>) target(%dma_start3A_58 : memref<400x64xf32, #tpu.memory_space<hbm>>) target_semaphore(%dma_start3A_56 : memref<!tpu.dma_semaphore, #tpu.memory_space<semaphore_mem>>)
    %dma_wait3A_59 = arith.constant 1 : i32
    %dma_wait3A_60 = arith.constant 0 : i32
    %dma_wait3A_61 = tpu.memref_slice %arg5[%dma_wait3A_60] : memref<25600xi32, #tpu.memory_space<vmem>> -> memref<400xi32, #tpu.memory_space<vmem>>
    %dma_wait3A_62 = arith.constant 0 : i32
    %dma_wait3A_63 = arith.constant 0 : i32
    %dma_wait3A_64 = tpu.memref_slice %arg2[%dma_wait3A_62, %dma_wait3A_63] : memref<1000000x64xf32, #tpu.memory_space<hbm>> -> memref<1000000x64xf32, #tpu.memory_space<hbm>>
    %dma_wait3A_65 = tpu.memref_slice %arg10[%dma_wait3A_59] : memref<4x!tpu.dma_semaphore, #tpu.memory_space<semaphore_mem>> -> memref<1x!tpu.dma_semaphore, #tpu.memory_space<semaphore_mem>>
    %dma_wait3A_66 = tpu.memref_squeeze %dma_wait3A_65 : memref<1x!tpu.dma_semaphore, #tpu.memory_space<semaphore_mem>> -> memref<!tpu.dma_semaphore, #tpu.memory_space<semaphore_mem>>
    tpu.wait_indirect_dma semaphore(%dma_wait3A_66 : memref<!tpu.dma_semaphore, #tpu.memory_space<semaphore_mem>>) src(%dma_wait3A_64 : memref<1000000x64xf32, #tpu.memory_space<hbm>>) dst(%arg7 : memref<400x64xf32, #tpu.memory_space<vmem>>)
    %multiple_of3A_67 = arith.constant 24400 : i32
    %multiple_of3A_68 = tpu.assume_multiple %multiple_of3A_67, 400 : i32
    %add3A_69 = arith.addi %mul3A_2, %multiple_of3A_68 : i32
    %dma_start3A_70 = arith.constant 1 : i32
    %dma_start3A_71 = arith.constant 0 : i32
    %dma_start3A_72 = tpu.memref_slice %arg4[%add3A_69, %dma_start3A_71] : memref<819200x64xf32, #tpu.memory_space<hbm>> -> memref<400x64xf32, #tpu.memory_space<hbm>>
    %dma_start3A_73 = tpu.memref_slice %arg11[%dma_start3A_70] : memref<4x!tpu.dma_semaphore, #tpu.memory_space<semaphore_mem>> -> memref<1x!tpu.dma_semaphore, #tpu.memory_space<semaphore_mem>>
    %dma_start3A_74 = tpu.memref_squeeze %dma_start3A_73 : memref<1x!tpu.dma_semaphore, #tpu.memory_space<semaphore_mem>> -> memref<!tpu.dma_semaphore, #tpu.memory_space<semaphore_mem>>
    %dma_start3A_75 = arith.constant 0 : i32
    %dma_start3A_76 = tpu.memref_slice %arg4[%add3A_69, %dma_start3A_75] : memref<819200x64xf32, #tpu.memory_space<hbm>> -> memref<400x64xf32, #tpu.memory_space<hbm>>
    tpu.enqueue_dma source(%arg7 : memref<400x64xf32, #tpu.memory_space<vmem>>) target(%dma_start3A_76 : memref<400x64xf32, #tpu.memory_space<hbm>>) target_semaphore(%dma_start3A_74 : memref<!tpu.dma_semaphore, #tpu.memory_space<semaphore_mem>>)
    %dma_wait3A_77 = arith.constant 2 : i32
    %dma_wait3A_78 = arith.constant 0 : i32
    %dma_wait3A_79 = tpu.memref_slice %arg5[%dma_wait3A_78] : memref<25600xi32, #tpu.memory_space<vmem>> -> memref<400xi32, #tpu.memory_space<vmem>>
    %dma_wait3A_80 = arith.constant 0 : i32
    %dma_wait3A_81 = arith.constant 0 : i32
    %dma_wait3A_82 = tpu.memref_slice %arg2[%dma_wait3A_80, %dma_wait3A_81] : memref<1000000x64xf32, #tpu.memory_space<hbm>> -> memref<1000000x64xf32, #tpu.memory_space<hbm>>
    %dma_wait3A_83 = tpu.memref_slice %arg10[%dma_wait3A_77] : memref<4x!tpu.dma_semaphore, #tpu.memory_space<semaphore_mem>> -> memref<1x!tpu.dma_semaphore, #tpu.memory_space<semaphore_mem>>
    %dma_wait3A_84 = tpu.memref_squeeze %dma_wait3A_83 : memref<1x!tpu.dma_semaphore, #tpu.memory_space<semaphore_mem>> -> memref<!tpu.dma_semaphore, #tpu.memory_space<semaphore_mem>>
    tpu.wait_indirect_dma semaphore(%dma_wait3A_84 : memref<!tpu.dma_semaphore, #tpu.memory_space<semaphore_mem>>) src(%dma_wait3A_82 : memref<1000000x64xf32, #tpu.memory_space<hbm>>) dst(%arg8 : memref<400x64xf32, #tpu.memory_space<vmem>>)
    %multiple_of3A_85 = arith.constant 24800 : i32
    %multiple_of3A_86 = tpu.assume_multiple %multiple_of3A_85, 400 : i32
    %add3A_87 = arith.addi %mul3A_2, %multiple_of3A_86 : i32
    %dma_start3A_88 = arith.constant 2 : i32
    %dma_start3A_89 = arith.constant 0 : i32
    %dma_start3A_90 = tpu.memref_slice %arg4[%add3A_87, %dma_start3A_89] : memref<819200x64xf32, #tpu.memory_space<hbm>> -> memref<400x64xf32, #tpu.memory_space<hbm>>
    %dma_start3A_91 = tpu.memref_slice %arg11[%dma_start3A_88] : memref<4x!tpu.dma_semaphore, #tpu.memory_space<semaphore_mem>> -> memref<1x!tpu.dma_semaphore, #tpu.memory_space<semaphore_mem>>
    %dma_start3A_92 = tpu.memref_squeeze %dma_start3A_91 : memref<1x!tpu.dma_semaphore, #tpu.memory_space<semaphore_mem>> -> memref<!tpu.dma_semaphore, #tpu.memory_space<semaphore_mem>>
    %dma_start3A_93 = arith.constant 0 : i32
    %dma_start3A_94 = tpu.memref_slice %arg4[%add3A_87, %dma_start3A_93] : memref<819200x64xf32, #tpu.memory_space<hbm>> -> memref<400x64xf32, #tpu.memory_space<hbm>>
    tpu.enqueue_dma source(%arg8 : memref<400x64xf32, #tpu.memory_space<vmem>>) target(%dma_start3A_94 : memref<400x64xf32, #tpu.memory_space<hbm>>) target_semaphore(%dma_start3A_92 : memref<!tpu.dma_semaphore, #tpu.memory_space<semaphore_mem>>)
    %dma_wait3A_95 = arith.constant 3 : i32
    %dma_wait3A_96 = arith.constant 0 : i32
    %dma_wait3A_97 = tpu.memref_slice %arg5[%dma_wait3A_96] : memref<25600xi32, #tpu.memory_space<vmem>> -> memref<400xi32, #tpu.memory_space<vmem>>
    %dma_wait3A_98 = arith.constant 0 : i32
    %dma_wait3A_99 = arith.constant 0 : i32
    %dma_wait3A_100 = tpu.memref_slice %arg2[%dma_wait3A_98, %dma_wait3A_99] : memref<1000000x64xf32, #tpu.memory_space<hbm>> -> memref<1000000x64xf32, #tpu.memory_space<hbm>>
    %dma_wait3A_101 = tpu.memref_slice %arg10[%dma_wait3A_95] : memref<4x!tpu.dma_semaphore, #tpu.memory_space<semaphore_mem>> -> memref<1x!tpu.dma_semaphore, #tpu.memory_space<semaphore_mem>>
    %dma_wait3A_102 = tpu.memref_squeeze %dma_wait3A_101 : memref<1x!tpu.dma_semaphore, #tpu.memory_space<semaphore_mem>> -> memref<!tpu.dma_semaphore, #tpu.memory_space<semaphore_mem>>
    tpu.wait_indirect_dma semaphore(%dma_wait3A_102 : memref<!tpu.dma_semaphore, #tpu.memory_space<semaphore_mem>>) src(%dma_wait3A_100 : memref<1000000x64xf32, #tpu.memory_space<hbm>>) dst(%arg9 : memref<400x64xf32, #tpu.memory_space<vmem>>)
    %multiple_of3A_103 = arith.constant 25200 : i32
    %multiple_of3A_104 = tpu.assume_multiple %multiple_of3A_103, 400 : i32
    %add3A_105 = arith.addi %mul3A_2, %multiple_of3A_104 : i32
    %dma_start3A_106 = arith.constant 3 : i32
    %dma_start3A_107 = arith.constant 0 : i32
    %dma_start3A_108 = tpu.memref_slice %arg4[%add3A_105, %dma_start3A_107] : memref<819200x64xf32, #tpu.memory_space<hbm>> -> memref<400x64xf32, #tpu.memory_space<hbm>>
    %dma_start3A_109 = tpu.memref_slice %arg11[%dma_start3A_106] : memref<4x!tpu.dma_semaphore, #tpu.memory_space<semaphore_mem>> -> memref<1x!tpu.dma_semaphore, #tpu.memory_space<semaphore_mem>>
    %dma_start3A_110 = tpu.memref_squeeze %dma_start3A_109 : memref<1x!tpu.dma_semaphore, #tpu.memory_space<semaphore_mem>> -> memref<!tpu.dma_semaphore, #tpu.memory_space<semaphore_mem>>
    %dma_start3A_111 = arith.constant 0 : i32
    %dma_start3A_112 = tpu.memref_slice %arg4[%add3A_105, %dma_start3A_111] : memref<819200x64xf32, #tpu.memory_space<hbm>> -> memref<400x64xf32, #tpu.memory_space<hbm>>
    tpu.enqueue_dma source(%arg9 : memref<400x64xf32, #tpu.memory_space<vmem>>) target(%dma_start3A_112 : memref<400x64xf32, #tpu.memory_space<hbm>>) target_semaphore(%dma_start3A_110 : memref<!tpu.dma_semaphore, #tpu.memory_space<semaphore_mem>>)
    %dma_wait3A_113 = arith.constant 0 : i32
    %dma_wait3A_114 = arith.constant 0 : i32
    %dma_wait3A_115 = tpu.memref_slice %arg4[%mul3A_2, %dma_wait3A_114] : memref<819200x64xf32, #tpu.memory_space<hbm>> -> memref<400x64xf32, #tpu.memory_space<hbm>>
    %dma_wait3A_116 = tpu.memref_slice %arg11[%dma_wait3A_113] : memref<4x!tpu.dma_semaphore, #tpu.memory_space<semaphore_mem>> -> memref<1x!tpu.dma_semaphore, #tpu.memory_space<semaphore_mem>>
    %dma_wait3A_117 = tpu.memref_squeeze %dma_wait3A_116 : memref<1x!tpu.dma_semaphore, #tpu.memory_space<semaphore_mem>> -> memref<!tpu.dma_semaphore, #tpu.memory_space<semaphore_mem>>
    %dma_wait3A_118 = arith.constant 0 : i32
    %dma_wait3A_119 = tpu.memref_slice %arg4[%mul3A_2, %dma_wait3A_118] : memref<819200x64xf32, #tpu.memory_space<hbm>> -> memref<400x64xf32, #tpu.memory_space<hbm>>
    tpu.wait_dma2 semaphore(%dma_wait3A_117 : memref<!tpu.dma_semaphore, #tpu.memory_space<semaphore_mem>>) src(%arg6 : memref<400x64xf32, #tpu.memory_space<vmem>>) dst(%dma_wait3A_119 : memref<400x64xf32, #tpu.memory_space<hbm>>)
    %dma_wait3A_120 = arith.constant 1 : i32
    %dma_wait3A_121 = arith.constant 0 : i32
    %dma_wait3A_122 = tpu.memref_slice %arg4[%mul3A_2, %dma_wait3A_121] : memref<819200x64xf32, #tpu.memory_space<hbm>> -> memref<400x64xf32, #tpu.memory_space<hbm>>
    %dma_wait3A_123 = tpu.memref_slice %arg11[%dma_wait3A_120] : memref<4x!tpu.dma_semaphore, #tpu.memory_space<semaphore_mem>> -> memref<1x!tpu.dma_semaphore, #tpu.memory_space<semaphore_mem>>
    %dma_wait3A_124 = tpu.memref_squeeze %dma_wait3A_123 : memref<1x!tpu.dma_semaphore, #tpu.memory_space<semaphore_mem>> -> memref<!tpu.dma_semaphore, #tpu.memory_space<semaphore_mem>>
    %dma_wait3A_125 = arith.constant 0 : i32
    %dma_wait3A_126 = tpu.memref_slice %arg4[%mul3A_2, %dma_wait3A_125] : memref<819200x64xf32, #tpu.memory_space<hbm>> -> memref<400x64xf32, #tpu.memory_space<hbm>>
    tpu.wait_dma2 semaphore(%dma_wait3A_124 : memref<!tpu.dma_semaphore, #tpu.memory_space<semaphore_mem>>) src(%arg7 : memref<400x64xf32, #tpu.memory_space<vmem>>) dst(%dma_wait3A_126 : memref<400x64xf32, #tpu.memory_space<hbm>>)
    %dma_wait3A_127 = arith.constant 2 : i32
    %dma_wait3A_128 = arith.constant 0 : i32
    %dma_wait3A_129 = tpu.memref_slice %arg4[%mul3A_2, %dma_wait3A_128] : memref<819200x64xf32, #tpu.memory_space<hbm>> -> memref<400x64xf32, #tpu.memory_space<hbm>>
    %dma_wait3A_130 = tpu.memref_slice %arg11[%dma_wait3A_127] : memref<4x!tpu.dma_semaphore, #tpu.memory_space<semaphore_mem>> -> memref<1x!tpu.dma_semaphore, #tpu.memory_space<semaphore_mem>>
    %dma_wait3A_131 = tpu.memref_squeeze %dma_wait3A_130 : memref<1x!tpu.dma_semaphore, #tpu.memory_space<semaphore_mem>> -> memref<!tpu.dma_semaphore, #tpu.memory_space<semaphore_mem>>
    %dma_wait3A_132 = arith.constant 0 : i32
    %dma_wait3A_133 = tpu.memref_slice %arg4[%mul3A_2, %dma_wait3A_132] : memref<819200x64xf32, #tpu.memory_space<hbm>> -> memref<400x64xf32, #tpu.memory_space<hbm>>
    tpu.wait_dma2 semaphore(%dma_wait3A_131 : memref<!tpu.dma_semaphore, #tpu.memory_space<semaphore_mem>>) src(%arg8 : memref<400x64xf32, #tpu.memory_space<vmem>>) dst(%dma_wait3A_133 : memref<400x64xf32, #tpu.memory_space<hbm>>)
    %dma_wait3A_134 = arith.constant 3 : i32
    %dma_wait3A_135 = arith.constant 0 : i32
    %dma_wait3A_136 = tpu.memref_slice %arg4[%mul3A_2, %dma_wait3A_135] : memref<819200x64xf32, #tpu.memory_space<hbm>> -> memref<400x64xf32, #tpu.memory_space<hbm>>
    %dma_wait3A_137 = tpu.memref_slice %arg11[%dma_wait3A_134] : memref<4x!tpu.dma_semaphore, #tpu.memory_space<semaphore_mem>> -> memref<1x!tpu.dma_semaphore, #tpu.memory_space<semaphore_mem>>
    %dma_wait3A_138 = tpu.memref_squeeze %dma_wait3A_137 : memref<1x!tpu.dma_semaphore, #tpu.memory_space<semaphore_mem>> -> memref<!tpu.dma_semaphore, #tpu.memory_space<semaphore_mem>>
    %dma_wait3A_139 = arith.constant 0 : i32
    %dma_wait3A_140 = tpu.memref_slice %arg4[%mul3A_2, %dma_wait3A_139] : memref<819200x64xf32, #tpu.memory_space<hbm>> -> memref<400x64xf32, #tpu.memory_space<hbm>>
    tpu.wait_dma2 semaphore(%dma_wait3A_138 : memref<!tpu.dma_semaphore, #tpu.memory_space<semaphore_mem>>) src(%arg9 : memref<400x64xf32, #tpu.memory_space<vmem>>) dst(%dma_wait3A_140 : memref<400x64xf32, #tpu.memory_space<hbm>>)
    return
  }
}

</mosaic_0001>

<sc_bundles>
// kernel: _embedding_lookup.3.cloned.1.call-start
scs
__scs_entry_jumppad:
0x0: {  	(pc) =	sbr.rel $0x88, $3  }
0x1: {  	(tag) =	ssettag $0x0;
	lr =	simm.s32 $0x1  }
0x2: {  	[smem:$0x3F9F] =	sst lr;
	_ =	strace $0xD0000000  }
0x3: {  	_ = 	snop  }
0x4: {  	_ = 	snop  }
0x5: {  	_ = 	snop  }
0x6: {  	_ = 	snop  }
0x7: {  	_ = 	snop  }
__scs_overlays_trampoline_lowered:
0x8: {  	[smem:$0x3FAE] =	sst s0  }
0x9: {  	[smem:$0x3FAF] =	sst s1  }
0xa: {  	[smem:$0x3FB0] =	sst s2  }
0xb: {  	[smem:$0x3FB1] =	sst s3  }
0xc: {  	[smem:$0x3FB2] =	sst s4  }
0xd: {  	[smem:$0x3FB3] =	sst s5  }
0xe: {  	[smem:$0x3FB4] =	sst s6  }
0xf: {  	[smem:$0x3FB5] =	sst s7  }
0x10: {  	[smem:$0x3FB6] =	sst s8  }
0x11: {  	[smem:$0x3FB7] =	sst s9;
	s0 =	simm.s32 @!p0 $0x0  }
0x12: {  	s1 =	sld [smem:$0x3F9D];
	s0 =	simm.s32 @p0 $0x1  }
0x13: {  	[smem:$0x3FB8] =	sst s0;
	s0 =	simm.s32 @!p1 $0x0  }
0x14: {  	s2 =	sld [smem:$0x3F9C];
	s0 =	simm.s32 @p1 $0x1  }
0x15: {  	[smem:$0x3FB9] =	sst s0;
	s0 =	simm.s32 @!p2 $0x0  }
0x16: {  	s3 =	sld [smem:$0x3FDB];
	s0 =	simm.s32 @p2 $0x1  }
0x17: {  	s4 =	simm.s32 $0x1BF5;
	[smem:$0x3FBB] =	sst s0  }
0x18: {  	s0 =	sld [smem:$0x3F9E];
	_ =	swait.ge [sflag:s4], $0x0  }
0x19: {  	s7 =	sld [smem:$0x3F9F]  }
0x1a: {  	s8 =	sadd.s32 $0xFFFFE003, lr  }
0x1b: {  	s9 =	sadd.s32 $0xFFFFFEF7, lr;
	s5 =	simm.s32 $0xFFFFFFFF;
	p2 =	slt.u32 s8, $0xFFFFF086  }
0x1c: {  	p1 =	slt.u32 s9, $0xF7A;
	s5 =	simm.s32 @!p2 $0x0  }
0x1d: {  	s5 =	simm.s32 @p1 $0x1;
	p0 =	seq.s32 s7, s2  }
0x1e: {  	s7 =	smul.u32 @!p0 $0xF7A, s2;
	p2 =	seq.s32 @!p0 s5, $0x0  }
0x1f: {  	s9 =	smul.u32 $0xF7A, s1;
	s8 =	simm.s32 @!p0 $0x1BF5;
	p2 =	por !p2, p0  }
0x20: {  	[sflag:s8] =	ssyncset.s32 @!p0 $0xFFFFF086;
	s6 =	sadd.s32 @!p0 s3, s7;
	s7 =	simm.s32 @!p0 $0x108  }
0x21: {  	s3 =	sadd.s32 s3, s9;
	s6 =	sadd.s32 @!p0 $0x88, s6;
	s7 =	simm.s32 @p2 $0x1082  }
0x22: {  	[simem:s7], [sflag:s8] =	dma.local @!p0 [hbm:s6], $0xF7A  }
0x23: {  	s9 =	sor.u32 $0xD0000000, s2;
	s6 =	simm.s32 $0x108;
	_ =	swait.ge @!p0 [sflag:s8], $0x0  }
0x24: {  	s3 =	sadd.s32 $0x88, s3;
	s6 =	simm.s32 @!p1 $0x1082;
	[sflag:s4] =	ssyncset.s32 $0xFFFFF086  }
0x25: {  	[simem:s6], [sflag:s4] =	dma.local [hbm:s3], $0xF7A  }
0x26: {  	[smem:$0x3F9F] =	sst s1;
	(tag) =	ssettag s2;
	_ =	strace s9  }
0x27: {  	s1 =	sld [smem:$0x3FAF]  }
0x28: {  	s2 =	sld [smem:$0x3FB0]  }
0x29: {  	s4 =	sld [smem:$0x3FB2]  }
0x2a: {  	p0 =	seq.s32 s5, $0x0;
	s5 =	sld [smem:$0x3FB3]  }
0x2b: {  	s6 =	sld [smem:$0x3FB4]  }
0x2c: {  	s7 =	sld [smem:$0x3FB5]  }
0x2d: {  	s3 =	simm.s32 $0x108;
	s8 =	sld [smem:$0x3FB6]  }
0x2e: {  	s3 =	simm.s32 @!p0 $0x1082;
	s9 =	sld [smem:$0x3FB7]  }
0x2f: {  	lr =	sadd.s32 s0, s3;
	s0 =	sld [smem:$0x3FAE]  }
0x30: {  	s3 =	sld [smem:$0x3FB1]  }
0x31: {  	[smem:$0x3FBA] =	sst s10  }
0x32: {  	s10 =	sld [smem:$0x3FB8];
	_ =	sdelay $0x3  }
0x33: {  	p0 =	seq.s32 s10, $0x1;
	s10 =	sld [smem:$0x3FBA];
	_ =	sdelay $0x3  }
0x34: {  	[smem:$0x3FBA] =	sst s10  }
0x35: {  	s10 =	sld [smem:$0x3FB9];
	_ =	sdelay $0x3  }
0x36: {  	p1 =	seq.s32 s10, $0x1;
	s10 =	sld [smem:$0x3FBA];
	_ =	sdelay $0x3  }
0x37: {  	[smem:$0x3FBA] =	sst s10  }
0x38: {  	s10 =	sld [smem:$0x3FBB]  }
0x39: {  	_ = 	snop;
	(pc) =	sbr.ind lr, $3  }
0x3a: {  	_ = 	snop  }
0x3b: {  	_ = 	snop  }
0x3c: {  	p2 =	seq.s32 s10, $0x1;
	s10 =	sld [smem:$0x3FBA]  }
0x3d: {  	_ =	shalt  }
0x3e: {  	_ =	shalt  }
0x3f: {  	_ =	shalt  }
0x40: {  	_ =	shalt  }
0x41: {  	_ =	shalt  }
0x42: {  	_ =	shalt  }
0x43: {  	_ =	shalt  }
0x44: {  	_ =	shalt  }
0x45: {  	_ =	shalt  }
0x46: {  	_ =	shalt  }
0x47: {  	_ =	shalt  }
0x48: {  	_ =	shalt  }
0x49: {  	_ =	shalt  }
0x4a: {  	_ =	shalt  }
0x4b: {  	_ =	shalt  }
0x4c: {  	_ =	shalt  }
0x4d: {  	_ =	shalt  }
0x4e: {  	_ =	shalt  }
0x4f: {  	_ =	shalt  }
0x50: {  	_ =	shalt  }
0x51: {  	_ =	shalt  }
0x52: {  	_ =	shalt  }
0x53: {  	_ =	shalt  }
0x54: {  	_ =	shalt  }
0x55: {  	_ =	shalt  }
0x56: {  	_ =	shalt  }
0x57: {  	_ =	shalt  }
0x58: {  	_ =	shalt  }
0x59: {  	_ =	shalt  }
0x5a: {  	_ =	shalt  }
0x5b: {  	_ =	shalt  }
0x5c: {  	_ =	shalt  }
0x5d: {  	_ =	shalt  }
0x5e: {  	_ =	shalt  }
0x5f: {  	_ =	shalt  }
0x60: {  	_ =	shalt  }
0x61: {  	_ =	shalt  }
0x62: {  	_ =	shalt  }
0x63: {  	_ =	shalt  }
0x64: {  	_ =	shalt  }
0x65: {  	_ =	shalt  }
0x66: {  	_ =	shalt  }
0x67: {  	_ =	shalt  }
0x68: {  	_ =	shalt  }
0x69: {  	_ =	shalt  }
0x6a: {  	_ =	shalt  }
0x6b: {  	_ =	shalt  }
0x6c: {  	_ =	shalt  }
0x6d: {  	_ =	shalt  }
0x6e: {  	_ =	shalt  }
0x6f: {  	_ =	shalt  }
0x70: {  	_ =	shalt  }
0x71: {  	_ =	shalt  }
0x72: {  	_ =	shalt  }
0x73: {  	_ =	shalt  }
0x74: {  	_ =	shalt  }
0x75: {  	_ =	shalt  }
0x76: {  	_ =	shalt  }
0x77: {  	_ =	shalt  }
0x78: {  	_ =	shalt  }
0x79: {  	_ =	shalt  }
0x7a: {  	_ =	shalt  }
0x7b: {  	_ =	shalt  }
0x7c: {  	_ =	shalt  }
0x7d: {  	_ =	shalt  }
0x7e: {  	_ =	shalt  }
0x7f: {  	_ =	shalt  }
0x80: {  	_ =	shalt  }
0x81: {  	_ =	shalt  }
0x82: {  	_ =	shalt  }
0x83: {  	_ =	shalt  }
0x84: {  	_ =	shalt  }
0x85: {  	_ =	shalt  }
0x86: {  	_ =	shalt  }
0x87: {  	_ =	shalt  }
.Lfunc_end0:
.L_simem_size_0:
called_computation.1_lowered:
.L_overlay_start_0:
0x88: {  	s2 =	sld [smem:$0x3FD9]  }
0x89: {  	s3 =	sld [smem:$0x3FFE];
	_ =	sdelay $0x1  }
0x8a: {  	s1 =	srdreg.scid  }
0x8b: {  	s0 =	sand.u32 $0x1, s1  }
0x8c: {  	s17 =	sshll.u32 s0, $0xA;
	s2 =	sadd.s32 s3, s2  }
0x8d: {  	s2 =	sadd.s32 s2, s17  }
0x8e: {  	[smem:$0x3FC6] =	sst s2  }
0x8f: {  	_ = 	snop  }
0x90: {  	s2 =	sld [smem:$0x3FC9]  }
0x91: {  	s18 =	sld [smem:$0x3FD0];
	(tm) =	ssettm $0x1  }
0x92: {  	s4 =	sld [smem:$0x3FFB];
	_ =	sdelay $0x3  }
0x93: {  	_ =	strace s4  }
0x94: {  	s4 =	sld [smem:$0x3FFC];
	_ =	sdelay $0x3  }
0x95: {  	_ =	strace s4  }
0x96: {  	s4 =	sld [smem:$0x3FFD];
	_ =	sdelay $0x3  }
0x97: {  	_ =	strace s4  }
0x98: {  	_ =	strace $0x8FFFFFFF  }
0x99: {  	s19 =	sld [smem:$0x3FDB];
	_ =	sdelay $0x1  }
0x9a: {  	s5 =	simm.s32 $_scs_section_size  }
0x9b: {  	s6 =	simm.s32 $_size__tile_overlayer_lowered;
	s7 =	simm.s32 $_tile_overlayer_lowered  }
0x9c: {  	s22 =	simm.s32 $0x1BFF;
	s21 =	sshll.u32 s7, $0x1;
	s4 =	sadd.s32 s5, s19  }
0x9d: {  	s8 =	simm.s32 $0x0;
	s20 =	sshll.u32 s6, $0x1;
	s6 =	sadd.s32 s21, s4  }
0x9e: {  	[timem:s8], [sflag:s22] =	dma.local [hbm:s6], s20  }
0x9f: {  	_ =	swait.ge [sflag:s22], s20  }
0xa0: {  	s5 =	ssub.s32 $0x0, s20;
	[sflag:s22] =	ssyncset.done $0x0  }
0xa1: {  	[sflag:s22] =	ssyncadd.s32 s5;
	_ =	sdelay $0x1  }
0xa2: {  	s23 =	simm.s32 $0x1B8B  }
0xa3: {  	_ =	swait.ge [sflag:s23], $0x1  }
0xa4: {  	[sflag:s23] =	ssyncset.done $0x0  }
0xa5: {  	s25 =	simm.s32 $0x1B8E;
	s24 =	sld [smem:$0x3FFE];
	[sflag:s23] =	ssyncadd.s32 $0xFFFFFFFF  }
0xa6: {  	s26 =	simm.s32 $execute0_lowered;
	[smem:$0x3FD2] =	sst s25  }
0xa7: {  	s6 =	sshll.u32 s26, $0x1;
	_ =	strace $0x80000046;
	[dreg:$0x1] =	wrdreg $0xFFFFFFFF  }
0xa8: {  	s28 =	simm.s32 $_size_execute0_lowered;
	s4 =	sadd.s32 s4, s6;
	[dreg:$0x0] =	wrdreg $0x0  }
0xa9: {  	s6 =	sshll.u32 s28, $0x1;
	[dreg:$0x2] =	wrdreg s4  }
0xaa: {  	[dreg:$0x3] =	wrdreg s6  }
0xab: {  	[dreg:$0x4] =	wrdreg $0xC0  }
0xac: {  	_ =	task [dreg:s8], $0x5FFFF  }
0xad: {  	[dreg:$0x1] =	wrdreg $0xFFFFFFFF  }
0xae: {  	[dreg:$0x0] =	wrdreg $0x60  }
0xaf: {  	[dreg:$0x2] =	wrdreg s24  }
0xb0: {  	[dreg:$0x3] =	wrdreg s2  }
0xb1: {  	[dreg:$0x4] =	wrdreg s18  }
0xb2: {  	[dreg:$0x5] =	wrdreg $0x9  }
0xb3: {  	_ =	task.clear_ibuf [dreg:s8], $0x6FFFF;
	_ =	strace $0x90000046  }
0xb4: {  	s29 =	simm.s32 $0x9;
	_ =	strace $0x80000048  }
0xb5: {  	_ =	swait.ge [sflag:s29], $0x1  }
0xb6: {  	[sflag:s29] =	ssyncadd.s32 $0xFFFFFFFF  }
0xb7: {  	_ =	strace $0x90000048  }
0xb8: {  	_ =	sfence  }
0xb9: {  	s30 =	sld [smem:$0x0];
	_ =	sdelay $0x2  }
0xba: {  	s31 =	sshll.u32 s1, $0xD;
	s1 =	sshrl.u32 s1, $0x2  }
0xbb: {  	s3 =	sand.u32 $0x4000, s31;
	s1 =	sadd.s32 s1, s30  }
0xbc: {  	s0 =	sor.u32 s3, s0;
	s1 =	sshll.u32 s1, $0x11  }
0xbd: {  	s0 =	sor.u32 s1, s0  }
0xbe: {  	s0 =	sadd.s32 $0x8F2B, s0  }
0xbf: {  	[sflag:s0] =	ssyncadd.remote.s32 $0x1  }
0xc0: {  	_ =	sfence.sel $0xFFFF  }
0xc1: {  	[dreg:$0x0] =	wrdreg $0xFFFFFFFF;
	(pc) =	sbr.abs _section_cstart, $3  }
0xc2: {  	[dreg:$0x1] =	wrdreg $0xFFFFFFFF  }
0xc3: {  	_ =	task.clear_ibuf [dreg:s8], $0x2FFFF;
	_ =	strace $0x9FFFFFFF  }
0xc4: {  	(tm) =	ssettm $0x7FFFFFFF  }
0xc5: {  	_ =	shalt  }
tec
execute0_lowered:
.L_overlay_start_1:
0x0: {  	(tag) =	ssettag $0x1  }
0x1: {  	s0 =	rddreg [dreg:$0x0]  }
0x2: {  	s1 =	rddreg [dreg:$0x1];
	s2 =	srdreg.scid  }
0x3: {  	s10 =	stileid.u32;
	s13 =	rddreg [dreg:$0x2];
	s15 =	simm.s32 $0x190  }
0x4: {  	s16 =	simm.s32 $0x6400;
	s17 =	simm.s32 $0xC800;
	s19 =	simm.s32 $0x12C00  }
0x5: {  	s21 =	simm.s32 $0x19000;
	s22 =	simm.s32 $0x1;
	s28 =	simm.s32 $0x6  }
0x6: {  	s29 =	simm.s32 $0x7;
	s30 =	simm.s32 $0x8;
	s6 =	smul.u32 $0xC800, s10  }
0x7: {  	s31 =	simm.s32 $0x0;
	s11 =	sand.u32 $0x1, s2;
	s14 =	smul.u32 $0x64000, s10  }
0x8: {  	s3 =	sshll.u32 s10, $0x1;
	s2 =	simm.s32 $0x0;
	s8 =	smul.u32 $0x6400, s11  }
0x9: {  	s3 =	sor.u32 s11, s3;
	[smem:$0x7FF] =	sst s2;
	s25 =	smul.u32 $0x32000, s11  }
0xa: {  	s23 =	ssub.s32 $0x2, s11;
	s4 =	smul.u32 $0x6400, s3;
	_ =	strace $0x80000047  }
0xb: {  	s5 =	smul.u32 $0x190000, s3;
	s3 =	sadd.s32 $0xF42C00, s0;
	s7 =	sshrl.u32 s23, $0x1  }
0xc: {  	s26 =	sadd.s32 s14, s13;
	s14 =	simm.s32 $0x9;
	s0 =	ssub.s32 s23, s7  }
0xd: {  	s24 =	sadd.s32 s8, s6;
	s5 =	sshrl.u32 s5, $0x3;
	s4 =	sshrl.u32 s4, $0x3  }
0xe: {  	s23 =	simm.s32 $0x2;
	s9 =	sadd.s32 s13, s5;
	s1 =	sadd.s32 s1, s4  }
0xf: {  	[dreg:$0x4] =	wrdreg s1;
	s5 =	sadd.s32 $0x2EE00, s9;
	s6 =	sadd.s32 $0x2FA80, s9  }
0x10: {  	s7 =	sadd.s32 $0x30700, s9;
	s1 =	sshll.u32 s24, $0x3;
	s8 =	sadd.s32 $0x31380, s9  }
0x11: {  	s9 =	smax.u32 s0, $0x1;
	s24 =	simm.s32 $0x3;
	s1 =	sadd.s32 s1, s13  }
0x12: {  	s13 =	sadd.s32 s25, s26;
	s25 =	simm.s32 $0x4;
	s26 =	simm.s32 $0x5  }
0x13: {  	s10 =	sadd.s32 $0x2580, s1;
	s11 =	sadd.s32 $0x1900, s1;
	s12 =	sadd.s32 $0xC80, s1  }
.LBB2_1:
0x14: {  	s0 =	rddreg [dreg:$0x4]  }
0x15: {  	[tilespmem:s2], [sflag:$0x9] =	stream.linear.gather [hbm4b:s0+s2], $0x6400, $0x38;
	[tilespmem:$0x1F400] =	vst v63  }
0x16: {  	_ =	swait.ge [sflag:s14], $0x6400  }
0x17: {  	[sflag:s14] =	ssyncset.done $0x0  }
0x18: {  	[sflag:s14] =	ssyncadd.s32 $0xFFFF9C00  }
0x19: {  	[tilespmem:s16], [sflag:$0x1] =	stream.indirect.gather [hbm4b:s3+s15], $0x40, s2, s15, $0xb8;
	[tilespmem:$0x1F400] =	vst v63  }
0x1a: {  	_ = 	snop  }
0x1b: {  	[tilespmem:s17], [sflag:$0x2] =	stream.indirect.gather [hbm4b:s3+s15], $0x40, s15, s15, $0xb8;
	[tilespmem:$0x1F400] =	vst v63  }
0x1c: {  	s20 =	simm.s32 $0x320  }
0x1d: {  	[tilespmem:s19], [sflag:$0x3] =	stream.indirect.gather [hbm4b:s3+s15], $0x40, s20, s15, $0xb8;
	[tilespmem:$0x1F400] =	vst v63  }
0x1e: {  	s1 =	simm.s32 $0x4B0  }
0x1f: {  	[tilespmem:s21], [sflag:$0x4] =	stream.indirect.gather [hbm4b:s3+s15], $0x40, s1, s15, $0xb8;
	[tilespmem:$0x1F400] =	vst v63  }
0x20: {  	_ =	swait.ge [sflag:s22], $0x6400  }
0x21: {  	[sflag:s22] =	ssyncset.done $0x0  }
0x22: {  	s4 =	sadd.s32 $0x0, s13;
	[sflag:s22] =	ssyncadd.s32 $0xFFFF9C00  }
0x23: {  	[hbm4b:s4+s2] =	stream.linear.scatter [tilespmem:s16], [sflag:$0x5], $0x6400, $0x38;
	[tilespmem:$0x1F400] =	vst v63  }
0x24: {  	_ =	swait.ge [sflag:s23], $0x6400  }
0x25: {  	[sflag:s23] =	ssyncset.done $0x0  }
0x26: {  	s18 =	sadd.s32 $0x0, s12;
	[sflag:s23] =	ssyncadd.s32 $0xFFFF9C00  }
0x27: {  	[hbm4b:s18+s2] =	stream.linear.scatter [tilespmem:s17], [sflag:$0x6], $0x6400, $0x38;
	[tilespmem:$0x1F400] =	vst v63  }
0x28: {  	_ =	swait.ge [sflag:s24], $0x6400  }
0x29: {  	[sflag:s24] =	ssyncset.done $0x0  }
0x2a: {  	s20 =	sadd.s32 $0x0, s11;
	[sflag:s24] =	ssyncadd.s32 $0xFFFF9C00  }
0x2b: {  	[hbm4b:s20+s2] =	stream.linear.scatter [tilespmem:s19], [sflag:$0x7], $0x6400, $0x38;
	[tilespmem:$0x1F400] =	vst v63  }
0x2c: {  	_ =	swait.ge [sflag:s25], $0x6400  }
0x2d: {  	[sflag:s25] =	ssyncset.done $0x0  }
0x2e: {  	s1 =	sadd.s32 $0x0, s10;
	[sflag:s25] =	ssyncadd.s32 $0xFFFF9C00  }
0x2f: {  	[hbm4b:s1+s2] =	stream.linear.scatter [tilespmem:s21], [sflag:$0x8], $0x6400, $0x38;
	[tilespmem:$0x1F400] =	vst v63  }
0x30: {  	_ =	swait.ge [sflag:s26], $0x6400  }
0x31: {  	[sflag:s26] =	ssyncset.done $0x0  }
0x32: {  	s4 =	simm.s32 $0x640;
	[sflag:s26] =	ssyncadd.s32 $0xFFFF9C00  }
0x33: {  	[tilespmem:s16], [sflag:$0x1] =	stream.indirect.gather [hbm4b:s3+s15], $0x40, s4, s15, $0xb8;
	[tilespmem:$0x1F400] =	vst v63  }
0x34: {  	_ =	swait.ge [sflag:s28], $0x6400  }
0x35: {  	[sflag:s28] =	ssyncset.done $0x0  }
0x36: {  	s18 =	simm.s32 $0x7D0;
	[sflag:s28] =	ssyncadd.s32 $0xFFFF9C00  }
0x37: {  	[tilespmem:s17], [sflag:$0x2] =	stream.indirect.gather [hbm4b:s3+s15], $0x40, s18, s15, $0xb8;
	[tilespmem:$0x1F400] =	vst v63  }
0x38: {  	_ =	swait.ge [sflag:s29], $0x6400  }
0x39: {  	[sflag:s29] =	ssyncset.done $0x0  }
0x3a: {  	s20 =	simm.s32 $0x960;
	[sflag:s29] =	ssyncadd.s32 $0xFFFF9C00  }
0x3b: {  	[tilespmem:s19], [sflag:$0x3] =	stream.indirect.gather [hbm4b:s3+s15], $0x40, s20, s15, $0xb8;
	[tilespmem:$0x1F400] =	vst v63  }
0x3c: {  	_ =	swait.ge [sflag:s30], $0x6400  }
0x3d: {  	s0 =	simm.s32 $0x3200;
	[sflag:s30] =	ssyncset.done $0x0  }
0x3e: {  	s1 =	simm.s32 $0xAF0;
	s18 =	simm.s32 $0x1130;
	[sflag:s30] =	ssyncadd.s32 $0xFFFF9C00  }
.LBB2_2:
0x3f: {  	[tilespmem:s21], [sflag:$0x4] =	stream.indirect.gather [hbm4b:s3+s15], $0x40, s1, s15, $0xb8;
	[tilespmem:$0x1F400] =	vst v63  }
0x40: {  	s20 =	smov.u32 s0;
	s1 =	smov.u32 s18  }
0x41: {  	p0 =	sne.s32 s0, $0x2BC00;
	s0 =	sadd.s32 $0x3200, s0;
	_ =	swait.ge [sflag:s22], $0x6400  }
0x42: {  	[sflag:s22] =	ssyncset.done $0x0  }
0x43: {  	s4 =	sadd.s32 s20, s13;
	[sflag:s22] =	ssyncadd.s32 $0xFFFF9C00  }
0x44: {  	[hbm4b:s4+s2] =	stream.linear.scatter [tilespmem:s16], [sflag:$0x5], $0x6400, $0x38;
	[tilespmem:$0x1F400] =	vst v63  }
0x45: {  	_ =	swait.ge [sflag:s23], $0x6400  }
0x46: {  	[sflag:s23] =	ssyncset.done $0x0  }
0x47: {  	s4 =	sadd.s32 s20, s12;
	[sflag:s23] =	ssyncadd.s32 $0xFFFF9C00  }
0x48: {  	[hbm4b:s4+s2] =	stream.linear.scatter [tilespmem:s17], [sflag:$0x6], $0x6400, $0x38;
	[tilespmem:$0x1F400] =	vst v63  }
0x49: {  	_ =	swait.ge [sflag:s24], $0x6400  }
0x4a: {  	[sflag:s24] =	ssyncset.done $0x0  }
0x4b: {  	s4 =	sadd.s32 s20, s11;
	[sflag:s24] =	ssyncadd.s32 $0xFFFF9C00  }
0x4c: {  	[hbm4b:s4+s2] =	stream.linear.scatter [tilespmem:s19], [sflag:$0x7], $0x6400, $0x38;
	[tilespmem:$0x1F400] =	vst v63  }
0x4d: {  	_ =	swait.ge [sflag:s25], $0x6400  }
0x4e: {  	[sflag:s25] =	ssyncset.done $0x0  }
0x4f: {  	s4 =	sadd.s32 s20, s10;
	[sflag:s25] =	ssyncadd.s32 $0xFFFF9C00  }
0x50: {  	[hbm4b:s4+s2] =	stream.linear.scatter [tilespmem:s21], [sflag:$0x8], $0x6400, $0x38;
	[tilespmem:$0x1F400] =	vst v63  }
0x51: {  	_ =	swait.ge [sflag:s26], $0x6400  }
0x52: {  	[sflag:s26] =	ssyncset.done $0x0  }
0x53: {  	s4 =	sadd.s32 $0xFFFFFB50, s18;
	[sflag:s26] =	ssyncadd.s32 $0xFFFF9C00  }
0x54: {  	[tilespmem:s16], [sflag:$0x1] =	stream.indirect.gather [hbm4b:s3+s15], $0x40, s4, s15, $0xb8;
	[tilespmem:$0x1F400] =	vst v63  }
0x55: {  	_ =	swait.ge [sflag:s28], $0x6400  }
0x56: {  	[sflag:s28] =	ssyncset.done $0x0  }
0x57: {  	s4 =	sadd.s32 $0xFFFFFCE0, s18;
	[sflag:s28] =	ssyncadd.s32 $0xFFFF9C00  }
0x58: {  	[tilespmem:s17], [sflag:$0x2] =	stream.indirect.gather [hbm4b:s3+s15], $0x40, s4, s15, $0xb8;
	[tilespmem:$0x1F400] =	vst v63  }
0x59: {  	_ =	swait.ge [sflag:s29], $0x6400  }
0x5a: {  	[sflag:s29] =	ssyncset.done $0x0  }
.Ltmp0:
0x5b: {  	s4 =	sadd.s32 $0xFFFFFE70, s18;
	[sflag:s29] =	ssyncadd.s32 $0xFFFF9C00;
	(pc) =	sbr.rel @p0 .LBB2_2-.Ltmp0, $4  }
0x5c: {  	[tilespmem:s19], [sflag:$0x3] =	stream.indirect.gather [hbm4b:s3+s15], $0x40, s4, s15, $0xb8;
	[tilespmem:$0x1F400] =	vst v63  }
0x5d: {  	_ =	swait.ge [sflag:s30], $0x6400  }
0x5e: {  	[sflag:s30] =	ssyncset.done $0x0  }
0x5f: {  	s18 =	sadd.s32 $0x640, s18;
	[sflag:s30] =	ssyncadd.s32 $0xFFFF9C00  }
0x60: {  	[tilespmem:s21], [sflag:$0x4] =	stream.indirect.gather [hbm4b:s3+s15], $0x40, s1, s15, $0xb8;
	[tilespmem:$0x1F400] =	vst v63  }
0x61: {  	_ =	swait.ge [sflag:s22], $0x6400  }
0x62: {  	[sflag:s22] =	ssyncset.done $0x0  }
0x63: {  	[sflag:s22] =	ssyncadd.s32 $0xFFFF9C00  }
0x64: {  	[hbm4b:s5+s2] =	stream.linear.scatter [tilespmem:s16], [sflag:$0x5], $0x6400, $0x38;
	[tilespmem:$0x1F400] =	vst v63  }
0x65: {  	_ =	swait.ge [sflag:s23], $0x6400  }
0x66: {  	[sflag:s23] =	ssyncset.done $0x0  }
0x67: {  	[sflag:s23] =	ssyncadd.s32 $0xFFFF9C00  }
0x68: {  	[hbm4b:s6+s2] =	stream.linear.scatter [tilespmem:s17], [sflag:$0x6], $0x6400, $0x38;
	[tilespmem:$0x1F400] =	vst v63  }
0x69: {  	_ =	swait.ge [sflag:s24], $0x6400  }
0x6a: {  	[sflag:s24] =	ssyncset.done $0x0  }
0x6b: {  	[sflag:s24] =	ssyncadd.s32 $0xFFFF9C00  }
0x6c: {  	[hbm4b:s7+s2] =	stream.linear.scatter [tilespmem:s19], [sflag:$0x7], $0x6400, $0x38;
	[tilespmem:$0x1F400] =	vst v63  }
0x6d: {  	_ =	swait.ge [sflag:s25], $0x6400  }
0x6e: {  	[sflag:s25] =	ssyncset.done $0x0  }
0x6f: {  	[sflag:s25] =	ssyncadd.s32 $0xFFFF9C00  }
0x70: {  	[hbm4b:s8+s2] =	stream.linear.scatter [tilespmem:s21], [sflag:$0x8], $0x6400, $0x38;
	[tilespmem:$0x1F400] =	vst v63  }
0x71: {  	_ =	swait.ge [sflag:s26], $0x6400  }
0x72: {  	[sflag:s26] =	ssyncset.done $0x0  }
0x73: {  	[sflag:s26] =	ssyncadd.s32 $0xFFFF9C00  }
0x74: {  	_ =	swait.ge [sflag:s28], $0x6400  }
0x75: {  	[sflag:s28] =	ssyncset.done $0x0  }
0x76: {  	s31 =	sadd.s32 $0x1, s31;
	[sflag:s28] =	ssyncadd.s32 $0xFFFF9C00  }
0x77: {  	p0 =	sne.s32 s31, s9;
	_ =	swait.ge [sflag:s29], $0x6400  }
.Ltmp1:
0x78: {  	[sflag:s29] =	ssyncset.done $0x0;
	(pc) =	sbr.rel @p0 .LBB2_1-.Ltmp1, $4  }
0x79: {  	[sflag:s29] =	ssyncadd.s32 $0xFFFF9C00  }
0x7a: {  	_ =	swait.ge [sflag:s30], $0x6400  }
0x7b: {  	[sflag:s30] =	ssyncset.done $0x0  }
0x7c: {  	[sflag:s30] =	ssyncadd.s32 $0xFFFF9C00  }
0x7d: {  	_ =	sfence.sel $0x180000  }
0x7e: {  	[bflag:$0x0] =	sbarrier.arrive $0xFFFF  }
0x7f: {  	_ =	strace $0x90000047  }
0x80: {  	s0 =	stileid.u32;
	[bflag:$0x2] =	sbarrier.arrive $0xFFFF  }
0x81: {  	p0 =	sne.s32 s0, $0x0;
	s0 =	rddreg [dreg:$0x3]  }
0x82: {  	s0 =	sadd.s32 @!p0 $0x100000, s0  }
0x83: {  	[sflag:s0] =	ssyncadd.tile.s32 @!p0 $0x1;
	_ =	shalt  }
.Lfunc_end2:
_tile_overlayer_lowered:
.L_overlay_start_2:
0x84: {  	(tag) =	ssettag $0x2  }
0x85: {  	s0 =	rddreg [dreg:$0x0];
	s2 =	stileid.u32  }
0x86: {  	s1 =	rddreg [dreg:$0x1];
	p0 =	sne.s32 s2, $0x0  }
0x87: {  	s3 =	rddreg [dreg:$0x2];
	[bflag:$0x3] =	sbarrier.arrive $0xFFFF;
	s2 =	simm.s32 @!p0 $0x1C09  }
0x88: {  	[timem:s3], [sflag:s2] =	dma.local @!p0 [hbm:s0], s1  }
0x89: {  	s0 =	simm.s32 @!p0 $0x9  }
0x8a: {  	_ =	swait.ge @!p0 [sflag:s0], s1  }
0x8b: {  	s1 =	ssub.s32 @!p0 $0x0, s1;
	[sflag:s0] =	ssyncset.done @!p0 $0x0  }
0x8c: {  	[sflag:s0] =	ssyncadd.s32 @!p0 s1  }
0x8d: {  	[bflag:$0x3] =	sbarrier.arrive $0xFFFF  }
0x8e: {  	_ =	shalt  }

// kernel: sparse-core-data-format-call.cloned.1.call-start
scs
called_computation_lowered:
.L_overlay_start_0:
0x0: {  	s2 =	sld [smem:$0x3FD9]  }
0x1: {  	s3 =	sld [smem:$0x3FFE];
	_ =	sdelay $0x1  }
0x2: {  	s1 =	srdreg.scid  }
0x3: {  	s0 =	sand.u32 $0x1, s1  }
0x4: {  	s18 =	sshll.u32 s0, $0xA;
	s2 =	sadd.s32 s3, s2  }
0x5: {  	s2 =	sadd.s32 s2, s18  }
0x6: {  	[smem:$0x3FC6] =	sst s2  }
0x7: {  	_ = 	snop  }
0x8: {  	s2 =	sld [smem:$0x3FD0];
	(tm) =	ssettm $0x1  }
0x9: {  	s19 =	sld [smem:$0x3FFB];
	_ =	sdelay $0x3  }
0xa: {  	_ =	strace s19  }
0xb: {  	s3 =	sld [smem:$0x3FFC];
	_ =	sdelay $0x3  }
0xc: {  	_ =	strace s3  }
0xd: {  	s3 =	sld [smem:$0x3FFD];
	_ =	sdelay $0x3  }
0xe: {  	_ =	strace s3  }
0xf: {  	_ =	strace $0x8FFFFFFF  }
0x10: {  	s20 =	sld [smem:$0x3FDB];
	_ =	sdelay $0x1  }
0x11: {  	s4 =	simm.s32 $_scs_section_size  }
0x12: {  	s5 =	simm.s32 $_size__tile_overlayer_lowered;
	s6 =	simm.s32 $_tile_overlayer_lowered  }
0x13: {  	s23 =	simm.s32 $0x1BFF;
	s22 =	sshll.u32 s6, $0x1;
	s3 =	sadd.s32 s4, s20  }
0x14: {  	s7 =	simm.s32 $0x0;
	s21 =	sshll.u32 s5, $0x1;
	s5 =	sadd.s32 s22, s3  }
0x15: {  	[timem:s7], [sflag:s23] =	dma.local [hbm:s5], s21  }
0x16: {  	_ =	swait.ge [sflag:s23], s21  }
0x17: {  	s4 =	ssub.s32 $0x0, s21;
	[sflag:s23] =	ssyncset.done $0x0  }
0x18: {  	[sflag:s23] =	ssyncadd.s32 s4;
	_ =	sdelay $0x1  }
0x19: {  	s24 =	simm.s32 $0x1B8B  }
0x1a: {  	_ =	swait.ge [sflag:s24], $0x1  }
0x1b: {  	[sflag:s24] =	ssyncset.done $0x0  }
0x1c: {  	s26 =	simm.s32 $0x1B8E;
	s25 =	sld [smem:$0x3FFE];
	[sflag:s24] =	ssyncadd.s32 $0xFFFFFFFF  }
0x1d: {  	s27 =	simm.s32 $execute0_lowered;
	[smem:$0x3FD2] =	sst s26  }
0x1e: {  	s5 =	sshll.u32 s27, $0x1;
	_ =	strace $0x80000049;
	[dreg:$0x1] =	wrdreg $0xFFFFFFFF  }
0x1f: {  	s28 =	simm.s32 $_size_execute0_lowered;
	s3 =	sadd.s32 s3, s5;
	[dreg:$0x0] =	wrdreg $0x0  }
0x20: {  	s5 =	sshll.u32 s28, $0x1;
	[dreg:$0x2] =	wrdreg s3  }
0x21: {  	[dreg:$0x3] =	wrdreg s5  }
0x22: {  	[dreg:$0x4] =	wrdreg $0xC0  }
0x23: {  	_ =	task [dreg:s7], $0x5FFFF  }
0x24: {  	[dreg:$0x1] =	wrdreg $0xFFFFFFFF  }
0x25: {  	[dreg:$0x0] =	wrdreg $0x60  }
0x26: {  	[dreg:$0x2] =	wrdreg s25  }
0x27: {  	[dreg:$0x3] =	wrdreg s2  }
0x28: {  	[dreg:$0x4] =	wrdreg $0x9  }
0x29: {  	_ =	task.clear_ibuf [dreg:s7], $0x5FFFF;
	_ =	strace $0x90000049  }
0x2a: {  	s29 =	simm.s32 $0x9;
	_ =	strace $0x8000004B  }
0x2b: {  	_ =	swait.ge [sflag:s29], $0x1  }
0x2c: {  	[sflag:s29] =	ssyncadd.s32 $0xFFFFFFFF  }
0x2d: {  	_ =	strace $0x9000004B  }
0x2e: {  	_ =	sfence  }
0x2f: {  	s30 =	sld [smem:$0x0];
	_ =	sdelay $0x2  }
0x30: {  	s31 =	sshll.u32 s1, $0xD;
	s1 =	sshrl.u32 s1, $0x2  }
0x31: {  	s3 =	sand.u32 $0x4000, s31;
	s1 =	sadd.s32 s1, s30  }
0x32: {  	s0 =	sor.u32 s3, s0;
	s1 =	sshll.u32 s1, $0x11  }
0x33: {  	s0 =	sor.u32 s1, s0  }
0x34: {  	s0 =	sadd.s32 $0x8F2B, s0  }
0x35: {  	[sflag:s0] =	ssyncadd.remote.s32 $0x1  }
0x36: {  	_ =	sfence.sel $0xFFFF  }
0x37: {  	[dreg:$0x0] =	wrdreg $0xFFFFFFFF;
	(pc) =	sbr.abs _section_cstart, $3  }
0x38: {  	[dreg:$0x1] =	wrdreg $0xFFFFFFFF  }
0x39: {  	_ =	task.clear_ibuf [dreg:s7], $0x2FFFF;
	_ =	strace $0x9FFFFFFF  }
0x3a: {  	(tm) =	ssettm $0x7FFFFFFF  }
0x3b: {  	_ =	shalt  }
tec
execute0_lowered:
.L_overlay_start_1:
0x0: {  	(tag) =	ssettag $0x1  }
0x1: {  	s0 =	srdreg.scid  }
0x2: {  	s1 =	sshll.u32 s0, $0x4  }
0x3: {  	s4 =	rddreg [dreg:$0x0];
	s0 =	stileid.u32;
	s1 =	sand.u32 $0x10, s1  }
0x4: {  	s2 =	rddreg [dreg:$0x1];
	s7 =	simm.s32 $0x1;
	s1 =	sor.u32 s0, s1  }
0x5: {  	s8 =	simm.s32 $0x2;
	s11 =	simm.s32 $0x0;
	s3 =	sshll.u32 s1, $0x7  }
0x6: {  	s10 =	simm.s32 $0x0;
	s4 =	sadd.s32 $0x800, s4;
	s6 =	ssub.s32 $0xC8000, s3  }
.Ltmp0:
0x7: {  	s1 =	rddreg [dreg:$0x2];
	s5 =	sand.u32 $0xF80, s6;
	(pc) =	sbr.rel .LBB1_1-.Ltmp0, $4  }
0x8: {  	_ =	strace $0x8000004A;
	s9 =	smov.u32 s3;
	p0 =	sne.s32 s5, $0x0  }
0x9: {  	s6 =	sshrl.u32 s6, $0xC;
	s5 =	simm.s32 $0x1;
	s7 =	simm.s32 @!p0 $0x0  }
0xa: {  	[sflag:s5] =	ssyncpa.u1 $0x0;
	p0 =	por $0x0, $0x0;
	s6 =	sadd.s32 s7, s6  }
0xb: {  	[sflag:s8] =	ssyncpa.u1 $0x0;
	s8 =	simm.s32 $0x640000;
	s7 =	sadd.s32 $0x1, s6  }
.LBB1_4:
0xc: {  	s14 =	sshll.u32 s11, $0x3  }
0xd: {  	s30 =	sand.u32 $0x7F, s11;
	s15 =	sand.u32 $0xFFFFFC00, s14  }
0xe: {  	s11 =	sor.u32 s30, s15  }
0xf: {  	s15 =	smulhi.u32 $0x51EB851F, s11  }
0x10: {  	s14 =	smulhi.u32 $0x51EB851F, s14  }
0x11: {  	s15 =	sshrl.u32 s15, $0x12  }
0x12: {  	s14 =	sshrl.u32 s14, $0x12;
	s15 =	smul.u32 $0xC8000, s15  }
0x13: {  	s14 =	sand.u32 $0x3F, s14  }
0x14: {  	s14 =	smul.u32 $0x19000, s14;
	s11 =	ssub.s32 s11, s15  }
0x15: {  	[tilespmem:s13+$0x810 ss:$0x81] =	vst.msk $0xffff, v2;
	s15 =	sand.u32 $0x7, s11  }
0x16: {  	[tilespmem:s13+$0x1020 ss:$0x81] =	vst.msk $0xffff, v0;
	s14 =	sadd.s32 s2, s14;
	s11 =	sshrl.u32 s11, $0x3;
	s15 =	sshll.u32 s15, $0x12  }
0x17: {  	[tilespmem:s13+$0x0 ss:$0x81] =	vst.msk $0xffff, v1;
	s11 =	sadd.s32 s11, s14;
	s31 =	sor.u32 $0x400, s15  }
0x18: {  	[hbm4b:s11+s31] =	stream.strided.scatter [tilespmem:s12], [sflag:$0x2], $0x2000, s8, s31, $0x20;
	[tilespmem:$0x8080] =	vst v63  }
.LBB1_5:
0x19: {  	s13 =	sadd.s32 $0x1000, s9  }
0x1a: {  	p2 =	sgt.s32 s13, $0xC7FFF  }
0x1b: {  	s13 =	smov.u32 @p2 s3;
	p2 =	sne.s32 s10, s7  }
.Ltmp1:
0x1c: {  	p1 =	slt.u32 s10, $0x2;
	(pc) =	sbr.rel @!p2 .LBB1_6-.Ltmp1, $4  }
0x1d: {  	s12 =	simm.s32 @!p1 $0x2  }
0x1e: {  	s14 =	sadd.s32 $0x1, s10;
	_ =	swait.ge @!p1 [sflag:s12], $0x2000  }
0x1f: {  	s11 =	smov.u32 s9;
	p0 =	por !p0, !p0;
	[sflag:s12] =	ssyncset.done @!p1 $0x0  }
0x20: {  	s10 =	smov.u32 s14;
	s9 =	smov.u32 s13;
	[sflag:s12] =	ssyncadd.s32 @!p1 $0xFFFFE000  }
.LBB1_1:
0x21: {  	p1 =	sge.u32 s10, s6  }
0x22: {  	s12 =	sand.u32 @!p1 $0x1FFFFFF, s9  }
0x23: {  	s13 =	smulhi.u32 @!p1 $0x147AE15, s12;
	_ =	sdelay $0x1  }
0x24: {  	s13 =	sshrl.u32 @!p1 s13, $0xC  }
0x25: {  	s13 =	smul.u32 @!p1 $0xC8000, s13;
	_ =	sdelay $0x1  }
0x26: {  	s31 =	sadd.s32 $0xFFFFFFFF, s10;
	s14 =	sxor.u32 @!p1 $0xFFFFFFFF, s10;
	s12 =	ssub.s32 @!p1 s12, s13  }
0x27: {  	s15 =	simm.s32 @!p1 $0x80;
	s14 =	sshll.u32 @!p1 s14, $0xD;
	s12 =	sshll.u32 @!p1 s12, $0x4  }
0x28: {  	s13 =	sand.u32 @!p1 $0x2000, s14;
	s14 =	simm.s32 @!p1 $0x40;
	s12 =	sadd.s32 @!p1 s4, s12  }
0x29: {  	[tilespmem:s13], [sflag:$0x1] =	stream.strided.gather @!p1 [hbm4b:s12+s14], $0x2000, s15, s14, $0x38;
	[tilespmem:$0x8080] =	vst v63  }
0x2a: {  	p1 =	sge.u32 s31, s6  }
.Ltmp2:
0x2b: {  	_ = 	snop;
	(pc) =	sbr.rel @p1 .LBB1_5-.Ltmp2, $1  }
0x2c: {  	_ =	sdelay $0x3  }
0x2d: {  	s12 =	simm.s32 $0x1  }
0x2e: {  	_ =	swait.ge [sflag:s5], $0x2000;
	s12 =	simm.s32 @!p0 $0x0  }
0x2f: {  	[sflag:s5] =	ssyncset.done $0x0;
	s13 =	sshll.u32 s12, $0xD  }
0x30: {  	[sflag:s5] =	ssyncadd.s32 $0xFFFFE000;
	s16 =	sor.u32 $0x20, s13  }
0x31: {  	s12 =	smul.u32 $0x8100, s12;
	v3 =	vld [tilespmem:s16+$0x10]  }
0x32: {  	s30 =	sand.u32 $0x1, s10;
	v2 =	vld [tilespmem:s16+$0xFFFFFFF0]  }
0x33: {  	s13 =	smul.u32 $0x8100, s30;
	s12 =	sshrl.u32 s12, $0x2;
	v0 =	vld [tilespmem:s16+$0x0]  }
0x34: {  	v1 =	vld [tilespmem:s16+$0xFFFFFFE0];
	s14 =	sor.u32 $0x4000, s12  }
0x35: {  	s31 =	sshrl.u32 s13, $0x2;
	s13 =	sadd.s32 $0x0, s14  }
0x36: {  	s15 =	simm.s32 $0x4;
	s16 =	sadd.s32 $0x40, s16;
	s12 =	sor.u32 $0x4000, s31;
	[tilespmem:s13+$0x1830 ss:$0x81] =	vst.msk $0xffff, v3  }
.LBB1_3:
0x37: {  	v3 =	vld [tilespmem:s16+$0x10];
	p1 =	sne.s32 s15, $0x1FC;
	[tilespmem:s13+$0x810 ss:$0x81] =	vst.msk $0xffff, v2;
	s17 =	smov.u32 s15;
	s15 =	sadd.s32 $0x4, s15  }
.Ltmp3:
0x38: {  	v2 =	vld [tilespmem:s16+$0xFFFFFFF0];
	[tilespmem:s13+$0x1020 ss:$0x81] =	vst.msk $0xffff, v0;
	(pc) =	sbr.rel @p1 .LBB1_3-.Ltmp3, $4  }
0x39: {  	v0 =	vld [tilespmem:s16+$0x0];
	[tilespmem:s13+$0x0 ss:$0x81] =	vst.msk $0xffff, v1  }
0x3a: {  	s13 =	sshra.s32 s17, $0x2;
	v1 =	vld [tilespmem:s16+$0xFFFFFFE0]  }
0x3b: {  	s13 =	sadd.s32 s13, s14  }
0x3c: {  	s16 =	sadd.s32 $0x40, s16;
	[tilespmem:s13+$0x1830 ss:$0x81] =	vst.msk $0xffff, v3  }
.Ltmp4:
0x3d: {  	_ = 	snop;
	(pc) =	sbr.rel .LBB1_4-.Ltmp4, $1  }
0x3e: {  	_ =	sdelay $0x3  }
.LBB1_6:
0x3f: {  	_ =	sfence.sel $0x180000  }
0x40: {  	s2 =	simm.s32 $0x1;
	[bflag:$0x0] =	sbarrier.arrive $0xFFFF  }
0x41: {  	s31 =	simm.s32 $0x2;
	[sflag:s2] =	ssyncpa.u1 $0x1  }
0x42: {  	[sflag:s31] =	ssyncpa.u1 $0x1  }
0x43: {  	p0 =	sne.s32 s0, $0x0;
	_ =	strace $0x9000004A  }
0x44: {  	s0 =	sadd.s32 @!p0 $0x100000, s1;
	[bflag:$0x2] =	sbarrier.arrive $0xFFFF  }
0x45: {  	[sflag:s0] =	ssyncadd.tile.s32 @!p0 $0x1;
	_ =	shalt  }
.Lfunc_end1:
_tile_overlayer_lowered:
.L_overlay_start_2:
0x46: {  	(tag) =	ssettag $0x2  }
0x47: {  	s0 =	rddreg [dreg:$0x0];
	s2 =	stileid.u32  }
0x48: {  	s1 =	rddreg [dreg:$0x1];
	p0 =	sne.s32 s2, $0x0  }
0x49: {  	s3 =	rddreg [dreg:$0x2];
	[bflag:$0x3] =	sbarrier.arrive $0xFFFF;
	s2 =	simm.s32 @!p0 $0x1C01  }
0x4a: {  	[timem:s3], [sflag:s2] =	dma.local @!p0 [hbm:s0], s1  }
0x4b: {  	s0 =	simm.s32 @!p0 $0x1  }
0x4c: {  	_ =	swait.ge @!p0 [sflag:s0], s1  }
0x4d: {  	s1 =	ssub.s32 @!p0 $0x0, s1;
	[sflag:s0] =	ssyncset.done @!p0 $0x0  }
0x4e: {  	[sflag:s0] =	ssyncadd.s32 @!p0 s1  }
0x4f: {  	[bflag:$0x3] =	sbarrier.arrive $0xFFFF  }
0x50: {  	_ =	shalt  }

</sc_bundles>
